<compile_context>
chip_gen: v7x
topology: tpu7x:2x2x1
jax: 0.10.2.dev20260603
libtpu: 0.0.44.dev20260713+nightly
codegen_flags: <defaults>
</compile_context>

<pallas_src>
import functools

import jax
import jax.numpy as jnp
from jax import lax
from jax.experimental import pallas as pl
from jax.experimental.pallas import tpu as pltpu
from jax.experimental.pallas import tpu_sc as plsc

N_USERS = 1000
N_JOKES = 100
BATCH = 1024
XCOLS = N_USERS + N_JOKES
CPAD = 1024


def _prep_body(u_ref, j_ref, xj_ref, g_ref, col_ref):
    u = u_ref[...]
    for r in range(10):
        g_ref[:, 100 * r:100 * (r + 1)] = lax.dot_general(
            u, j_ref[:, 100 * r:100 * (r + 1)], (((1,), (1,)), ((), ())),
            preferred_element_type=jnp.float32,
            precision=lax.Precision.HIGHEST)
    g_ref[:, N_USERS:CPAD] = jnp.zeros((N_JOKES, CPAD - N_USERS),
                                       jnp.float32)

    icol = lax.broadcasted_iota(jnp.int32, (N_JOKES, CPAD), 1)
    prow = lax.broadcasted_iota(jnp.int32, (N_JOKES, CPAD), 0)
    e0 = jnp.where(icol // 10 == prow, 1.0, 0.0)
    rep = lax.dot_general(xj_ref[...].astype(jnp.float32), e0,
                          (((1,), (0,)), ((), ())),
                          preferred_element_type=jnp.float32)
    ivec = lax.broadcasted_iota(jnp.int32, (1, CPAD), 1)
    pat = jnp.where(ivec < N_USERS, (ivec % 10) * 100, N_USERS)
    col_ref[...] = rep.astype(jnp.int32) + pat


def _tanh_poly(x):
    xc = jnp.clip(x, -7.90531110763549805, 7.90531110763549805)
    x2 = xc * xc
    p = x2 * -2.76076847742355e-16 + 2.00018790482477e-13
    p = x2 * p + -8.60467152213735e-11
    p = x2 * p + 5.12229709037114e-08
    p = x2 * p + 1.48572235717979e-05
    p = x2 * p + 6.37261928875436e-04
    p = x2 * p + 4.89352455891786e-03
    q = x2 * 1.19825839466702e-06 + 1.18534705686654e-04
    q = x2 * q + 2.26843463243900e-03
    q = x2 * q + 4.89352518554385e-03
    t = xc * p / q
    return jnp.where(jnp.abs(x) < 0.0004, x, t)


def _mlp_body(d_ref, w1_ref, b1_ref, w2_ref, b2_ref, w3_ref, b3_ref, o_ref):
    d = jnp.sum(d_ref[...], axis=1, keepdims=True)
    h = jnp.maximum(d * w1_ref[...] + b1_ref[...][None, :], 0.0)
    h = jnp.maximum(
        lax.dot_general(h, w2_ref[...], (((1,), (0,)), ((), ())),
                        preferred_element_type=jnp.float32)
        + b2_ref[...][None, :], 0.0)
    z = (lax.dot_general(h, w3_ref[...], (((1,), (0,)), ((), ())),
                         preferred_element_type=jnp.float32)
         + b3_ref[...][None, :])
    o_ref[...] = _tanh_poly(z)


def _sc_gather_reduce(g_hbm, x_hbm, col_hbm, out_hbm, g_v, g_sh,
                      xa_v, xb_v, ca_v, cb_v, dout_v,
                      sem_g, sem_xa, sem_xb, sem_ca, sem_cb):
    nc = plsc.get_sparse_core_info().num_cores
    sid = lax.axis_index("s")
    wid = sid * nc + lax.axis_index("c")
    rows_per_w = BATCH // (nc * 16)
    base = wid * rows_per_w

    pltpu.async_copy(x_hbm.at[base], xa_v, sem_xa)
    pltpu.async_copy(col_hbm.at[base], ca_v, sem_ca)
    pltpu.async_copy(x_hbm.at[base + 1], xb_v, sem_xb)
    pltpu.async_copy(col_hbm.at[base + 1], cb_v, sem_cb)

    @pl.when(sid == 0)
    def _stage():
        def g_issue(a, _):
            pltpu.async_copy(g_hbm.at[a], g_sh.at[pl.ds(a * CPAD, CPAD)],
                             sem_g)
            return 0

        lax.fori_loop(0, N_JOKES, g_issue, 0)

        def g_drain(a, _):
            pltpu.make_async_copy(g_hbm.at[0], g_sh.at[pl.ds(0, CPAD)],
                                  sem_g).wait()
            return 0

        lax.fori_loop(0, N_JOKES, g_drain, 0)

    plsc.subcore_barrier()
    pltpu.sync_copy(g_sh, g_v)

    def do_row(row, xv, cv, sem_x, sem_c):
        pltpu.make_async_copy(x_hbm.at[base], xv, sem_x).wait()
        pltpu.make_async_copy(col_hbm.at[base], cv, sem_c).wait()

        def chunk_body(t, acc):
            uv = xv[pl.ds(t * 16, 16)]
            colv = cv[pl.ds(t * 16, 16)]
            idx = lax.shift_left(uv, 10) | colv
            return acc + plsc.load_gather(g_v, [idx])

        acc = lax.fori_loop(0, CPAD // 16, chunk_body,
                            jnp.zeros((16,), jnp.float32), unroll=8)
        dout_v[row] = acc

        @pl.when(row + 2 < rows_per_w)
        def _prefetch():
            pltpu.async_copy(x_hbm.at[base + row + 2], xv, sem_x)
            pltpu.async_copy(col_hbm.at[base + row + 2], cv, sem_c)

    def pair_body(gidx, _):
        do_row(2 * gidx, xa_v, ca_v, sem_xa, sem_ca)
        do_row(2 * gidx + 1, xb_v, cb_v, sem_xb, sem_cb)
        return 0

    lax.fori_loop(0, rows_per_w // 2, pair_body, 0)
    pltpu.sync_copy(dout_v, out_hbm.at[pl.ds(base, rows_per_w)])


def kernel(x, user_table, joke_table, W1, b1, W2, b2, W3, b3):
    g2, col = pl.pallas_call(
        _prep_body,
        out_shape=(
            jax.ShapeDtypeStruct((N_JOKES, CPAD), jnp.float32),
            jax.ShapeDtypeStruct((BATCH, CPAD), jnp.int32),
        ),
    )(user_table[:N_JOKES], joke_table, x[:, N_USERS:])

    mesh = plsc.VectorSubcoreMesh(core_axis_name="c", subcore_axis_name="s")
    rows_per_w = BATCH // (plsc.get_sparse_core_info().num_cores * 16)
    d = pl.kernel(
        _sc_gather_reduce,
        mesh=mesh,
        compiler_params=pltpu.CompilerParams(needs_layout_passes=False),
        out_type=jax.ShapeDtypeStruct((BATCH, 16), jnp.float32),
        scratch_types=[
            pltpu.VMEM((N_JOKES * CPAD,), jnp.float32),
            pltpu.VMEM_SHARED((N_JOKES * CPAD,), jnp.float32),
            pltpu.VMEM((XCOLS,), jnp.int32),
            pltpu.VMEM((XCOLS,), jnp.int32),
            pltpu.VMEM((CPAD,), jnp.int32),
            pltpu.VMEM((CPAD,), jnp.int32),
            pltpu.VMEM((rows_per_w, 16), jnp.float32),
            pltpu.SemaphoreType.DMA,
            pltpu.SemaphoreType.DMA,
            pltpu.SemaphoreType.DMA,
            pltpu.SemaphoreType.DMA,
            pltpu.SemaphoreType.DMA,
        ],
    )(g2, x, col)

    out = pl.pallas_call(
        _mlp_body,
        out_shape=jax.ShapeDtypeStruct((BATCH, 1), jnp.float32),
    )(d, W1, b1, W2, b2, W3, b3)
    return out

# --- scband reference (transcript-rebuilt; emitter-appended) ---
"""Pipeline reference for scband-joke-recommender-16011638080057 (READ-ONLY COPY).

The authoritative reference and input builder live on the scoring server;
editing this copy changes nothing except your own understanding.
"""

import jax, jax.numpy as jnp
import numpy as np

N_USERS = 1000
N_JOKES = 100
BATCH = 1024
UNITS1 = 100
UNITS2 = 100


def setup_inputs(seed: int = 0) -> dict:
    key = jax.random.key(seed)
    ks = jax.random.split(key, 10)
    # forward input: int index matrix [B, n_users + n_jokes]; values in [0, 100)
    # (valid indices for both the user table (vocab 1000) and the joke table (vocab 100))
    x = jax.random.randint(ks[0], (BATCH, N_USERS + N_JOKES), 0, 100)
    # learned parameters
    user_table = jax.random.normal(ks[1], (N_USERS, N_JOKES), dtype=jnp.float32) * 0.05
    joke_table = jax.random.normal(ks[2], (N_JOKES, N_USERS), dtype=jnp.float32) * 0.05
    W1 = jax.random.normal(ks[3], (1, UNITS1), dtype=jnp.float32) * 0.05
    b1 = jnp.zeros((UNITS1,), dtype=jnp.float32)
    W2 = jax.random.normal(ks[4], (UNITS1, UNITS2), dtype=jnp.float32) * 0.05
    b2 = jnp.zeros((UNITS2,), dtype=jnp.float32)
    W3 = jax.random.normal(ks[5], (UNITS2, 1), dtype=jnp.float32) * 0.05
    b3 = jnp.zeros((1,), dtype=jnp.float32)
    return {"x": x, "user_table": user_table, "joke_table": joke_table,
            "W1": W1, "b1": b1, "W2": W2, "b2": b2, "W3": W3, "b3": b3}


def reference(x, user_table, joke_table, W1, b1, W2, b2, W3, b3):
    B = x.shape[0]
    # split_user / split_joke
    user_idx = x[:, :N_USERS]            # [B, n_users]
    joke_idx = x[:, N_USERS:]            # [B, n_jokes]
    # user_embedding: Embedding(n_users, n_jokes) -> [B, n_users, n_jokes]; flatten
    u = jnp.take(user_table, user_idx, axis=0).reshape(B, -1)   # [B, n_users*n_jokes]
    # joke_embedding: Embedding(n_jokes, n_users) -> [B, n_jokes, n_users]; flatten
    j = jnp.take(joke_table, joke_idx, axis=0).reshape(B, -1)   # [B, n_jokes*n_users]
    # Dropout is inactive at inference (Keras call without training=True)
    # Dot(axes=-1) -> [B, 1]
    d = jnp.sum(u * j, axis=-1, keepdims=True)
    h = jax.nn.relu(d @ W1 + b1)
    h = jax.nn.relu(h @ W2 + b2)
    out = jnp.tanh(h @ W3 + b3)
    return out

if __name__ == "__main__":
    import jax
    _d = setup_inputs()
    print(jax.jit(kernel)(*tuple(_d.values())))

</pallas_src>

<mosaic_0001>
#map = affine_map<(d0, d1) -> (0, 0)>
module attributes {stable_mosaic.version = 14 : i64} {
  func.func @_sc_gather_reduce(%arg0: i32, %arg1: i32, %arg2: memref<100x1024xf32, #tpu.memory_space<hbm>>, %arg3: memref<1024x1100xi32, #tpu.memory_space<hbm>>, %arg4: memref<1024x1024xi32, #tpu.memory_space<hbm>>, %arg5: memref<1024x16xf32, #tpu.memory_space<hbm>>, %arg6: memref<102400xf32, #tpu.memory_space<vmem>>, %arg7: memref<102400xf32, #tpu.memory_space<vmem_shared>>, %arg8: memref<1100xi32, #tpu.memory_space<vmem>>, %arg9: memref<1100xi32, #tpu.memory_space<vmem>>, %arg10: memref<1024xi32, #tpu.memory_space<vmem>>, %arg11: memref<1024xi32, #tpu.memory_space<vmem>>, %arg12: memref<32x16xf32, #tpu.memory_space<vmem>>, %arg13: memref<!tpu.dma_semaphore, #tpu.memory_space<semaphore_mem>>, %arg14: memref<!tpu.dma_semaphore, #tpu.memory_space<semaphore_mem>>, %arg15: memref<!tpu.dma_semaphore, #tpu.memory_space<semaphore_mem>>, %arg16: memref<!tpu.dma_semaphore, #tpu.memory_space<semaphore_mem>>, %arg17: memref<!tpu.dma_semaphore, #tpu.memory_space<semaphore_mem>>) attributes {dimension_semantics = [#tpu.dimension_semantics<core_parallel>, #tpu.dimension_semantics<subcore_parallel>], iteration_bounds = array<i64: 2, 16>, scalar_prefetch = 0 : i64, scratch_operands = 12 : i64, tpu.core_type = #tpu.core_type<sc_vector_subcore>, window_params = [{transform_indices = #map}, {transform_indices = #map}, {transform_indices = #map}, {transform_indices = #map}]} {
    %mul3A = arith.constant 2 : i32
    %mul3A_0 = arith.muli %arg1, %mul3A : i32
    %add3A = arith.addi %mul3A_0, %arg0 : i32
    %mul3A_1 = arith.constant 32 : i32
    %mul3A_2 = arith.muli %add3A, %mul3A_1 : i32
    %dma_start3A = arith.constant 0 : i32
    %dma_start3A_3 = tpu.memref_slice %arg3[%mul3A_2, %dma_start3A] : memref<1024x1100xi32, #tpu.memory_space<hbm>> -> memref<1x1100xi32, #tpu.memory_space<hbm>>
    %dma_start3A_4 = tpu.memref_squeeze %dma_start3A_3 : memref<1x1100xi32, #tpu.memory_space<hbm>> -> memref<1100xi32, #tpu.memory_space<hbm>>
    %dma_start3A_5 = arith.constant 0 : i32
    %dma_start3A_6 = tpu.memref_slice %arg3[%mul3A_2, %dma_start3A_5] : memref<1024x1100xi32, #tpu.memory_space<hbm>> -> memref<1x1100xi32, #tpu.memory_space<hbm>>
    %dma_start3A_7 = tpu.memref_squeeze %dma_start3A_6 : memref<1x1100xi32, #tpu.memory_space<hbm>> -> memref<1100xi32, #tpu.memory_space<hbm>>
    tpu.enqueue_dma source(%dma_start3A_7 : memref<1100xi32, #tpu.memory_space<hbm>>) target(%arg8 : memref<1100xi32, #tpu.memory_space<vmem>>) target_semaphore(%arg14 : memref<!tpu.dma_semaphore, #tpu.memory_space<semaphore_mem>>)
    %dma_start3A_8 = arith.constant 0 : i32
    %dma_start3A_9 = tpu.memref_slice %arg4[%mul3A_2, %dma_start3A_8] : memref<1024x1024xi32, #tpu.memory_space<hbm>> -> memref<1x1024xi32, #tpu.memory_space<hbm>>
    %dma_start3A_10 = tpu.memref_squeeze %dma_start3A_9 : memref<1x1024xi32, #tpu.memory_space<hbm>> -> memref<1024xi32, #tpu.memory_space<hbm>>
    %dma_start3A_11 = arith.constant 0 : i32
    %dma_start3A_12 = tpu.memref_slice %arg4[%mul3A_2, %dma_start3A_11] : memref<1024x1024xi32, #tpu.memory_space<hbm>> -> memref<1x1024xi32, #tpu.memory_space<hbm>>
    %dma_start3A_13 = tpu.memref_squeeze %dma_start3A_12 : memref<1x1024xi32, #tpu.memory_space<hbm>> -> memref<1024xi32, #tpu.memory_space<hbm>>
    tpu.enqueue_dma source(%dma_start3A_13 : memref<1024xi32, #tpu.memory_space<hbm>>) target(%arg10 : memref<1024xi32, #tpu.memory_space<vmem>>) target_semaphore(%arg16 : memref<!tpu.dma_semaphore, #tpu.memory_space<semaphore_mem>>)
    %add3A_14 = arith.constant 1 : i32
    %add3A_15 = arith.addi %mul3A_2, %add3A_14 : i32
    %dma_start3A_16 = arith.constant 0 : i32
    %dma_start3A_17 = tpu.memref_slice %arg3[%add3A_15, %dma_start3A_16] : memref<1024x1100xi32, #tpu.memory_space<hbm>> -> memref<1x1100xi32, #tpu.memory_space<hbm>>
    %dma_start3A_18 = tpu.memref_squeeze %dma_start3A_17 : memref<1x1100xi32, #tpu.memory_space<hbm>> -> memref<1100xi32, #tpu.memory_space<hbm>>
    %dma_start3A_19 = arith.constant 0 : i32
    %dma_start3A_20 = tpu.memref_slice %arg3[%add3A_15, %dma_start3A_19] : memref<1024x1100xi32, #tpu.memory_space<hbm>> -> memref<1x1100xi32, #tpu.memory_space<hbm>>
    %dma_start3A_21 = tpu.memref_squeeze %dma_start3A_20 : memref<1x1100xi32, #tpu.memory_space<hbm>> -> memref<1100xi32, #tpu.memory_space<hbm>>
    tpu.enqueue_dma source(%dma_start3A_21 : memref<1100xi32, #tpu.memory_space<hbm>>) target(%arg9 : memref<1100xi32, #tpu.memory_space<vmem>>) target_semaphore(%arg15 : memref<!tpu.dma_semaphore, #tpu.memory_space<semaphore_mem>>)
    %add3A_22 = arith.constant 1 : i32
    %add3A_23 = arith.addi %mul3A_2, %add3A_22 : i32
    %dma_start3A_24 = arith.constant 0 : i32
    %dma_start3A_25 = tpu.memref_slice %arg4[%add3A_23, %dma_start3A_24] : memref<1024x1024xi32, #tpu.memory_space<hbm>> -> memref<1x1024xi32, #tpu.memory_space<hbm>>
    %dma_start3A_26 = tpu.memref_squeeze %dma_start3A_25 : memref<1x1024xi32, #tpu.memory_space<hbm>> -> memref<1024xi32, #tpu.memory_space<hbm>>
    %dma_start3A_27 = arith.constant 0 : i32
    %dma_start3A_28 = tpu.memref_slice %arg4[%add3A_23, %dma_start3A_27] : memref<1024x1024xi32, #tpu.memory_space<hbm>> -> memref<1x1024xi32, #tpu.memory_space<hbm>>
    %dma_start3A_29 = tpu.memref_squeeze %dma_start3A_28 : memref<1x1024xi32, #tpu.memory_space<hbm>> -> memref<1024xi32, #tpu.memory_space<hbm>>
    tpu.enqueue_dma source(%dma_start3A_29 : memref<1024xi32, #tpu.memory_space<hbm>>) target(%arg11 : memref<1024xi32, #tpu.memory_space<vmem>>) target_semaphore(%arg17 : memref<!tpu.dma_semaphore, #tpu.memory_space<semaphore_mem>>)
    %eq3A = arith.constant 0 : i32
    %eq3A_30 = arith.cmpi eq, %arg1, %eq3A : i32
    %convert_element_type3A = arith.extui %eq3A_30 : i1 to i32
    %cond3A = arith.constant 0 : i32
    %cond3A_31 = arith.cmpi ne, %convert_element_type3A, %cond3A : i32
    scf.if %cond3A_31 {
      %scan3A_38 = arith.constant 0 : i32
      %scan3A_39 = arith.constant 0 : i32
      %scan3A_40 = arith.constant 100 : i32
      %scan3A_41 = arith.addi %scan3A_39, %scan3A_40 : i32
      %scan3A_42 = arith.constant 1 : i32
      %scan3A_43 = scf.for %scan3A_52 = %scan3A_39 to %scan3A_41 step %scan3A_42 iter_args(%scan3A_53 = %scan3A_38) -> (i32)  : i32 {
        %mul3A_54 = arith.constant 1024 : i32
        %mul3A_55 = arith.muli %scan3A_52, %mul3A_54 : i32
        %dma_start3A_56 = tpu.memref_slice %arg7[%mul3A_55] : memref<102400xf32, #tpu.memory_space<vmem_shared>> -> memref<1024xf32, #tpu.memory_space<vmem_shared>>
        %dma_start3A_57 = arith.constant 0 : i32
        %dma_start3A_58 = tpu.memref_slice %arg2[%scan3A_52, %dma_start3A_57] : memref<100x1024xf32, #tpu.memory_space<hbm>> -> memref<1x1024xf32, #tpu.memory_space<hbm>>
        %dma_start3A_59 = tpu.memref_squeeze %dma_start3A_58 : memref<1x1024xf32, #tpu.memory_space<hbm>> -> memref<1024xf32, #tpu.memory_space<hbm>>
        tpu.enqueue_dma source(%dma_start3A_59 : memref<1024xf32, #tpu.memory_space<hbm>>) target(%dma_start3A_56 : memref<1024xf32, #tpu.memory_space<vmem_shared>>) target_semaphore(%arg13 : memref<!tpu.dma_semaphore, #tpu.memory_space<semaphore_mem>>)
        %scan3A_60 = arith.constant 0 : i32
        scf.yield %scan3A_60 : i32
      }
      %scan3A_44 = arith.constant 100 : i32
      %scan3A_45 = arith.constant 0 : i32
      %scan3A_46 = arith.constant 0 : i32
      %scan3A_47 = arith.constant 100 : i32
      %scan3A_48 = arith.addi %scan3A_46, %scan3A_47 : i32
      %scan3A_49 = arith.constant 1 : i32
      %scan3A_50 = scf.for %scan3A_52 = %scan3A_46 to %scan3A_48 step %scan3A_49 iter_args(%scan3A_53 = %scan3A_45) -> (i32)  : i32 {
        %dma_wait3A = arith.constant 0 : i32
        %dma_wait3A_54 = arith.constant 0 : i32
        %dma_wait3A_55 = tpu.memref_slice %arg7[%dma_wait3A_54] : memref<102400xf32, #tpu.memory_space<vmem_shared>> -> memref<1024xf32, #tpu.memory_space<vmem_shared>>
        %dma_wait3A_56 = arith.constant 0 : i32
        %dma_wait3A_57 = tpu.memref_slice %arg2[%dma_wait3A, %dma_wait3A_56] : memref<100x1024xf32, #tpu.memory_space<hbm>> -> memref<1x1024xf32, #tpu.memory_space<hbm>>
        %dma_wait3A_58 = tpu.memref_squeeze %dma_wait3A_57 : memref<1x1024xf32, #tpu.memory_space<hbm>> -> memref<1024xf32, #tpu.memory_space<hbm>>
        tpu.wait_dma2 semaphore(%arg13 : memref<!tpu.dma_semaphore, #tpu.memory_space<semaphore_mem>>) src(%dma_wait3A_58 : memref<1024xf32, #tpu.memory_space<hbm>>) dst(%dma_wait3A_55 : memref<1024xf32, #tpu.memory_space<vmem_shared>>)
        %scan3A_59 = arith.constant 0 : i32
        scf.yield %scan3A_59 : i32
      }
      %scan3A_51 = arith.constant 100 : i32
    } else {
    }
    %barrier3A = arith.constant 0 : index
    tpu.barrier barrier_id(%barrier3A)
    "tpu.region"() ({
      %run_scoped3A = tpu.sem_alloc : memref<!tpu.dma_semaphore, #tpu.memory_space<semaphore_mem>>
      tpu.enqueue_dma source(%arg7 : memref<102400xf32, #tpu.memory_space<vmem_shared>>) target(%arg6 : memref<102400xf32, #tpu.memory_space<vmem>>) target_semaphore(%run_scoped3A : memref<!tpu.dma_semaphore, #tpu.memory_space<semaphore_mem>>)
      tpu.wait_dma2 semaphore(%run_scoped3A : memref<!tpu.dma_semaphore, #tpu.memory_space<semaphore_mem>>) src(%arg7 : memref<102400xf32, #tpu.memory_space<vmem_shared>>) dst(%arg6 : memref<102400xf32, #tpu.memory_space<vmem>>)
      tpu.yield
    }) : () -> ()
    %scan3A = arith.constant 0 : i32
    %scan3A_32 = arith.constant 0 : i32
    %scan3A_33 = arith.constant 16 : i32
    %scan3A_34 = arith.addi %scan3A_32, %scan3A_33 : i32
    %scan3A_35 = arith.constant 1 : i32
    %scan3A_36 = scf.for %scan3A_38 = %scan3A_32 to %scan3A_34 step %scan3A_35 iter_args(%scan3A_39 = %scan3A) -> (i32)  : i32 {
      %mul3A_40 = arith.constant 2 : i32
      %mul3A_41 = arith.muli %mul3A_40, %scan3A_38 : i32
      %dma_wait3A = arith.constant 0 : i32
      %dma_wait3A_42 = tpu.memref_slice %arg3[%mul3A_2, %dma_wait3A] : memref<1024x1100xi32, #tpu.memory_space<hbm>> -> memref<1x1100xi32, #tpu.memory_space<hbm>>
      %dma_wait3A_43 = tpu.memref_squeeze %dma_wait3A_42 : memref<1x1100xi32, #tpu.memory_space<hbm>> -> memref<1100xi32, #tpu.memory_space<hbm>>
      %dma_wait3A_44 = arith.constant 0 : i32
      %dma_wait3A_45 = tpu.memref_slice %arg3[%mul3A_2, %dma_wait3A_44] : memref<1024x1100xi32, #tpu.memory_space<hbm>> -> memref<1x1100xi32, #tpu.memory_space<hbm>>
      %dma_wait3A_46 = tpu.memref_squeeze %dma_wait3A_45 : memref<1x1100xi32, #tpu.memory_space<hbm>> -> memref<1100xi32, #tpu.memory_space<hbm>>
      tpu.wait_dma2 semaphore(%arg14 : memref<!tpu.dma_semaphore, #tpu.memory_space<semaphore_mem>>) src(%dma_wait3A_46 : memref<1100xi32, #tpu.memory_space<hbm>>) dst(%arg8 : memref<1100xi32, #tpu.memory_space<vmem>>)
      %dma_wait3A_47 = arith.constant 0 : i32
      %dma_wait3A_48 = tpu.memref_slice %arg4[%mul3A_2, %dma_wait3A_47] : memref<1024x1024xi32, #tpu.memory_space<hbm>> -> memref<1x1024xi32, #tpu.memory_space<hbm>>
      %dma_wait3A_49 = tpu.memref_squeeze %dma_wait3A_48 : memref<1x1024xi32, #tpu.memory_space<hbm>> -> memref<1024xi32, #tpu.memory_space<hbm>>
      %dma_wait3A_50 = arith.constant 0 : i32
      %dma_wait3A_51 = tpu.memref_slice %arg4[%mul3A_2, %dma_wait3A_50] : memref<1024x1024xi32, #tpu.memory_space<hbm>> -> memref<1x1024xi32, #tpu.memory_space<hbm>>
      %dma_wait3A_52 = tpu.memref_squeeze %dma_wait3A_51 : memref<1x1024xi32, #tpu.memory_space<hbm>> -> memref<1024xi32, #tpu.memory_space<hbm>>
      tpu.wait_dma2 semaphore(%arg16 : memref<!tpu.dma_semaphore, #tpu.memory_space<semaphore_mem>>) src(%dma_wait3A_52 : memref<1024xi32, #tpu.memory_space<hbm>>) dst(%arg10 : memref<1024xi32, #tpu.memory_space<vmem>>)
      %broadcast_in_dim3A = arith.constant 0.000000e+00 : f32
      %broadcast_in_dim3A_53 = vector.broadcast %broadcast_in_dim3A : f32 to vector<16xf32>
      %scan3A_54 = arith.constant 0 : i32
      %scan3A_55 = arith.constant 64 : i32
      %scan3A_56 = arith.addi %scan3A_54, %scan3A_55 : i32
      %scan3A_57 = arith.constant 8 : i32
      %scan3A_58 = scf.for %scan3A_103 = %scan3A_54 to %scan3A_56 step %scan3A_57 iter_args(%scan3A_104 = %broadcast_in_dim3A_53) -> (vector<16xf32>)  : i32 {
        %mul3A_105 = arith.constant 16 : i32
        %mul3A_106 = arith.muli %scan3A_103, %mul3A_105 : i32
        %get3A = arith.index_cast %mul3A_106 : i32 to index
        %get3A_107 = tpu.vector_load %arg8[%get3A] {strides = array<i32>} : memref<1100xi32, #tpu.memory_space<vmem>>, vector<16xi32>,
        %mul3A_108 = arith.constant 16 : i32
        %mul3A_109 = arith.muli %scan3A_103, %mul3A_108 : i32
        %get3A_110 = arith.index_cast %mul3A_109 : i32 to index
        %get3A_111 = tpu.vector_load %arg10[%get3A_110] {strides = array<i32>} : memref<1024xi32, #tpu.memory_space<vmem>>, vector<16xi32>,
        %shift_left3A = arith.constant 10 : i32
        %shift_left3A_112 = vector.broadcast %shift_left3A : i32 to vector<16xi32>
        %shift_left3A_113 = arith.shli %get3A_107, %shift_left3A_112 : vector<16xi32>
        %or3A = arith.ori %shift_left3A_113, %get3A_111 : vector<16xi32>
        %gather3A = tpu.vector_load_idx %arg6[%or3A] : memref<102400xf32, #tpu.memory_space<vmem>>[vector<16xi32>], vector<16xf32>,
        %add3A_114 = arith.addf %scan3A_104, %gather3A : vector<16xf32>
        %scan3A_115 = arith.constant 1 : i32
        %scan3A_116 = arith.addi %scan3A_103, %scan3A_115 : i32
        %mul3A_117 = arith.constant 16 : i32
        %mul3A_118 = arith.muli %scan3A_116, %mul3A_117 : i32
        %get3A_119 = arith.index_cast %mul3A_118 : i32 to index
        %get3A_120 = tpu.vector_load %arg8[%get3A_119] {strides = array<i32>} : memref<1100xi32, #tpu.memory_space<vmem>>, vector<16xi32>,
        %mul3A_121 = arith.constant 16 : i32
        %mul3A_122 = arith.muli %scan3A_116, %mul3A_121 : i32
        %get3A_123 = arith.index_cast %mul3A_122 : i32 to index
        %get3A_124 = tpu.vector_load %arg10[%get3A_123] {strides = array<i32>} : memref<1024xi32, #tpu.memory_space<vmem>>, vector<16xi32>,
        %shift_left3A_125 = arith.constant 10 : i32
        %shift_left3A_126 = vector.broadcast %shift_left3A_125 : i32 to vector<16xi32>
        %shift_left3A_127 = arith.shli %get3A_120, %shift_left3A_126 : vector<16xi32>
        %or3A_128 = arith.ori %shift_left3A_127, %get3A_124 : vector<16xi32>
        %gather3A_129 = tpu.vector_load_idx %arg6[%or3A_128] : memref<102400xf32, #tpu.memory_space<vmem>>[vector<16xi32>], vector<16xf32>,
        %add3A_130 = arith.addf %add3A_114, %gather3A_129 : vector<16xf32>
        %scan3A_131 = arith.constant 2 : i32
        %scan3A_132 = arith.addi %scan3A_103, %scan3A_131 : i32
        %mul3A_133 = arith.constant 16 : i32
        %mul3A_134 = arith.muli %scan3A_132, %mul3A_133 : i32
        %get3A_135 = arith.index_cast %mul3A_134 : i32 to index
        %get3A_136 = tpu.vector_load %arg8[%get3A_135] {strides = array<i32>} : memref<1100xi32, #tpu.memory_space<vmem>>, vector<16xi32>,
        %mul3A_137 = arith.constant 16 : i32
        %mul3A_138 = arith.muli %scan3A_132, %mul3A_137 : i32
        %get3A_139 = arith.index_cast %mul3A_138 : i32 to index
        %get3A_140 = tpu.vector_load %arg10[%get3A_139] {strides = array<i32>} : memref<1024xi32, #tpu.memory_space<vmem>>, vector<16xi32>,
        %shift_left3A_141 = arith.constant 10 : i32
        %shift_left3A_142 = vector.broadcast %shift_left3A_141 : i32 to vector<16xi32>
        %shift_left3A_143 = arith.shli %get3A_136, %shift_left3A_142 : vector<16xi32>
        %or3A_144 = arith.ori %shift_left3A_143, %get3A_140 : vector<16xi32>
        %gather3A_145 = tpu.vector_load_idx %arg6[%or3A_144] : memref<102400xf32, #tpu.memory_space<vmem>>[vector<16xi32>], vector<16xf32>,
        %add3A_146 = arith.addf %add3A_130, %gather3A_145 : vector<16xf32>
        %scan3A_147 = arith.constant 3 : i32
        %scan3A_148 = arith.addi %scan3A_103, %scan3A_147 : i32
        %mul3A_149 = arith.constant 16 : i32
        %mul3A_150 = arith.muli %scan3A_148, %mul3A_149 : i32
        %get3A_151 = arith.index_cast %mul3A_150 : i32 to index
        %get3A_152 = tpu.vector_load %arg8[%get3A_151] {strides = array<i32>} : memref<1100xi32, #tpu.memory_space<vmem>>, vector<16xi32>,
        %mul3A_153 = arith.constant 16 : i32
        %mul3A_154 = arith.muli %scan3A_148, %mul3A_153 : i32
        %get3A_155 = arith.index_cast %mul3A_154 : i32 to index
        %get3A_156 = tpu.vector_load %arg10[%get3A_155] {strides = array<i32>} : memref<1024xi32, #tpu.memory_space<vmem>>, vector<16xi32>,
        %shift_left3A_157 = arith.constant 10 : i32
        %shift_left3A_158 = vector.broadcast %shift_left3A_157 : i32 to vector<16xi32>
        %shift_left3A_159 = arith.shli %get3A_152, %shift_left3A_158 : vector<16xi32>
        %or3A_160 = arith.ori %shift_left3A_159, %get3A_156 : vector<16xi32>
        %gather3A_161 = tpu.vector_load_idx %arg6[%or3A_160] : memref<102400xf32, #tpu.memory_space<vmem>>[vector<16xi32>], vector<16xf32>,
        %add3A_162 = arith.addf %add3A_146, %gather3A_161 : vector<16xf32>
        %scan3A_163 = arith.constant 4 : i32
        %scan3A_164 = arith.addi %scan3A_103, %scan3A_163 : i32
        %mul3A_165 = arith.constant 16 : i32
        %mul3A_166 = arith.muli %scan3A_164, %mul3A_165 : i32
        %get3A_167 = arith.index_cast %mul3A_166 : i32 to index
        %get3A_168 = tpu.vector_load %arg8[%get3A_167] {strides = array<i32>} : memref<1100xi32, #tpu.memory_space<vmem>>, vector<16xi32>,
        %mul3A_169 = arith.constant 16 : i32
        %mul3A_170 = arith.muli %scan3A_164, %mul3A_169 : i32
        %get3A_171 = arith.index_cast %mul3A_170 : i32 to index
        %get3A_172 = tpu.vector_load %arg10[%get3A_171] {strides = array<i32>} : memref<1024xi32, #tpu.memory_space<vmem>>, vector<16xi32>,
        %shift_left3A_173 = arith.constant 10 : i32
        %shift_left3A_174 = vector.broadcast %shift_left3A_173 : i32 to vector<16xi32>
        %shift_left3A_175 = arith.shli %get3A_168, %shift_left3A_174 : vector<16xi32>
        %or3A_176 = arith.ori %shift_left3A_175, %get3A_172 : vector<16xi32>
        %gather3A_177 = tpu.vector_load_idx %arg6[%or3A_176] : memref<102400xf32, #tpu.memory_space<vmem>>[vector<16xi32>], vector<16xf32>,
        %add3A_178 = arith.addf %add3A_162, %gather3A_177 : vector<16xf32>
        %scan3A_179 = arith.constant 5 : i32
        %scan3A_180 = arith.addi %scan3A_103, %scan3A_179 : i32
        %mul3A_181 = arith.constant 16 : i32
        %mul3A_182 = arith.muli %scan3A_180, %mul3A_181 : i32
        %get3A_183 = arith.index_cast %mul3A_182 : i32 to index
        %get3A_184 = tpu.vector_load %arg8[%get3A_183] {strides = array<i32>} : memref<1100xi32, #tpu.memory_space<vmem>>, vector<16xi32>,
        %mul3A_185 = arith.constant 16 : i32
        %mul3A_186 = arith.muli %scan3A_180, %mul3A_185 : i32
        %get3A_187 = arith.index_cast %mul3A_186 : i32 to index
        %get3A_188 = tpu.vector_load %arg10[%get3A_187] {strides = array<i32>} : memref<1024xi32, #tpu.memory_space<vmem>>, vector<16xi32>,
        %shift_left3A_189 = arith.constant 10 : i32
        %shift_left3A_190 = vector.broadcast %shift_left3A_189 : i32 to vector<16xi32>
        %shift_left3A_191 = arith.shli %get3A_184, %shift_left3A_190 : vector<16xi32>
        %or3A_192 = arith.ori %shift_left3A_191, %get3A_188 : vector<16xi32>
        %gather3A_193 = tpu.vector_load_idx %arg6[%or3A_192] : memref<102400xf32, #tpu.memory_space<vmem>>[vector<16xi32>], vector<16xf32>,
        %add3A_194 = arith.addf %add3A_178, %gather3A_193 : vector<16xf32>
        %scan3A_195 = arith.constant 6 : i32
        %scan3A_196 = arith.addi %scan3A_103, %scan3A_195 : i32
        %mul3A_197 = arith.constant 16 : i32
        %mul3A_198 = arith.muli %scan3A_196, %mul3A_197 : i32
        %get3A_199 = arith.index_cast %mul3A_198 : i32 to index
        %get3A_200 = tpu.vector_load %arg8[%get3A_199] {strides = array<i32>} : memref<1100xi32, #tpu.memory_space<vmem>>, vector<16xi32>,
        %mul3A_201 = arith.constant 16 : i32
        %mul3A_202 = arith.muli %scan3A_196, %mul3A_201 : i32
        %get3A_203 = arith.index_cast %mul3A_202 : i32 to index
        %get3A_204 = tpu.vector_load %arg10[%get3A_203] {strides = array<i32>} : memref<1024xi32, #tpu.memory_space<vmem>>, vector<16xi32>,
        %shift_left3A_205 = arith.constant 10 : i32
        %shift_left3A_206 = vector.broadcast %shift_left3A_205 : i32 to vector<16xi32>
        %shift_left3A_207 = arith.shli %get3A_200, %shift_left3A_206 : vector<16xi32>
        %or3A_208 = arith.ori %shift_left3A_207, %get3A_204 : vector<16xi32>
        %gather3A_209 = tpu.vector_load_idx %arg6[%or3A_208] : memref<102400xf32, #tpu.memory_space<vmem>>[vector<16xi32>], vector<16xf32>,
        %add3A_210 = arith.addf %add3A_194, %gather3A_209 : vector<16xf32>
        %scan3A_211 = arith.constant 7 : i32
        %scan3A_212 = arith.addi %scan3A_103, %scan3A_211 : i32
        %mul3A_213 = arith.constant 16 : i32
        %mul3A_214 = arith.muli %scan3A_212, %mul3A_213 : i32
        %get3A_215 = arith.index_cast %mul3A_214 : i32 to index
        %get3A_216 = tpu.vector_load %arg8[%get3A_215] {strides = array<i32>} : memref<1100xi32, #tpu.memory_space<vmem>>, vector<16xi32>,
        %mul3A_217 = arith.constant 16 : i32
        %mul3A_218 = arith.muli %scan3A_212, %mul3A_217 : i32
        %get3A_219 = arith.index_cast %mul3A_218 : i32 to index
        %get3A_220 = tpu.vector_load %arg10[%get3A_219] {strides = array<i32>} : memref<1024xi32, #tpu.memory_space<vmem>>, vector<16xi32>,
        %shift_left3A_221 = arith.constant 10 : i32
        %shift_left3A_222 = vector.broadcast %shift_left3A_221 : i32 to vector<16xi32>
        %shift_left3A_223 = arith.shli %get3A_216, %shift_left3A_222 : vector<16xi32>
        %or3A_224 = arith.ori %shift_left3A_223, %get3A_220 : vector<16xi32>
        %gather3A_225 = tpu.vector_load_idx %arg6[%or3A_224] : memref<102400xf32, #tpu.memory_space<vmem>>[vector<16xi32>], vector<16xf32>,
        %add3A_226 = arith.addf %add3A_210, %gather3A_225 : vector<16xf32>
        scf.yield %add3A_226 : vector<16xf32>
      }
      %scan3A_59 = arith.constant 64 : i32
      %swap3A = arith.index_cast %mul3A_41 : i32 to index
      %swap3A_60 = arith.constant 0 : index
      %swap3A_61 = tpu.vector_load %arg12[%swap3A, %swap3A_60] {strides = array<i32>} : memref<32x16xf32, #tpu.memory_space<vmem>>, vector<16xf32>,
      tpu.vector_store %arg12[%swap3A, %swap3A_60], %scan3A_58 {strides = array<i32>} : memref<32x16xf32, #tpu.memory_space<vmem>>, vector<16xf32>,
      %add3A_62 = arith.constant 2 : i32
      %add3A_63 = arith.addi %mul3A_41, %add3A_62 : i32
      %lt3A = arith.constant 32 : i32
      %lt3A_64 = arith.cmpi slt, %add3A_63, %lt3A : i32
      %convert_element_type3A_65 = arith.extui %lt3A_64 : i1 to i32
      %cond3A_66 = arith.constant 0 : i32
      %cond3A_67 = arith.cmpi ne, %convert_element_type3A_65, %cond3A_66 : i32
      scf.if %cond3A_67 {
        %add3A_103 = arith.addi %mul3A_2, %mul3A_41 : i32
        %add3A_104 = arith.constant 2 : i32
        %add3A_105 = arith.addi %add3A_103, %add3A_104 : i32
        %dma_start3A_106 = arith.constant 0 : i32
        %dma_start3A_107 = tpu.memref_slice %arg3[%add3A_105, %dma_start3A_106] : memref<1024x1100xi32, #tpu.memory_space<hbm>> -> memref<1x1100xi32, #tpu.memory_space<hbm>>
        %dma_start3A_108 = tpu.memref_squeeze %dma_start3A_107 : memref<1x1100xi32, #tpu.memory_space<hbm>> -> memref<1100xi32, #tpu.memory_space<hbm>>
        %dma_start3A_109 = arith.constant 0 : i32
        %dma_start3A_110 = tpu.memref_slice %arg3[%add3A_105, %dma_start3A_109] : memref<1024x1100xi32, #tpu.memory_space<hbm>> -> memref<1x1100xi32, #tpu.memory_space<hbm>>
        %dma_start3A_111 = tpu.memref_squeeze %dma_start3A_110 : memref<1x1100xi32, #tpu.memory_space<hbm>> -> memref<1100xi32, #tpu.memory_space<hbm>>
        tpu.enqueue_dma source(%dma_start3A_111 : memref<1100xi32, #tpu.memory_space<hbm>>) target(%arg8 : memref<1100xi32, #tpu.memory_space<vmem>>) target_semaphore(%arg14 : memref<!tpu.dma_semaphore, #tpu.memory_space<semaphore_mem>>)
        %add3A_112 = arith.addi %mul3A_2, %mul3A_41 : i32
        %add3A_113 = arith.constant 2 : i32
        %add3A_114 = arith.addi %add3A_112, %add3A_113 : i32
        %dma_start3A_115 = arith.constant 0 : i32
        %dma_start3A_116 = tpu.memref_slice %arg4[%add3A_114, %dma_start3A_115] : memref<1024x1024xi32, #tpu.memory_space<hbm>> -> memref<1x1024xi32, #tpu.memory_space<hbm>>
        %dma_start3A_117 = tpu.memref_squeeze %dma_start3A_116 : memref<1x1024xi32, #tpu.memory_space<hbm>> -> memref<1024xi32, #tpu.memory_space<hbm>>
        %dma_start3A_118 = arith.constant 0 : i32
        %dma_start3A_119 = tpu.memref_slice %arg4[%add3A_114, %dma_start3A_118] : memref<1024x1024xi32, #tpu.memory_space<hbm>> -> memref<1x1024xi32, #tpu.memory_space<hbm>>
        %dma_start3A_120 = tpu.memref_squeeze %dma_start3A_119 : memref<1x1024xi32, #tpu.memory_space<hbm>> -> memref<1024xi32, #tpu.memory_space<hbm>>
        tpu.enqueue_dma source(%dma_start3A_120 : memref<1024xi32, #tpu.memory_space<hbm>>) target(%arg10 : memref<1024xi32, #tpu.memory_space<vmem>>) target_semaphore(%arg16 : memref<!tpu.dma_semaphore, #tpu.memory_space<semaphore_mem>>)
      } else {
      }
      %mul3A_68 = arith.constant 2 : i32
      %mul3A_69 = arith.muli %mul3A_68, %scan3A_38 : i32
      %add3A_70 = arith.constant 1 : i32
      %add3A_71 = arith.addi %mul3A_69, %add3A_70 : i32
      %dma_wait3A_72 = arith.constant 0 : i32
      %dma_wait3A_73 = tpu.memref_slice %arg3[%mul3A_2, %dma_wait3A_72] : memref<1024x1100xi32, #tpu.memory_space<hbm>> -> memref<1x1100xi32, #tpu.memory_space<hbm>>
      %dma_wait3A_74 = tpu.memref_squeeze %dma_wait3A_73 : memref<1x1100xi32, #tpu.memory_space<hbm>> -> memref<1100xi32, #tpu.memory_space<hbm>>
      %dma_wait3A_75 = arith.constant 0 : i32
      %dma_wait3A_76 = tpu.memref_slice %arg3[%mul3A_2, %dma_wait3A_75] : memref<1024x1100xi32, #tpu.memory_space<hbm>> -> memref<1x1100xi32, #tpu.memory_space<hbm>>
      %dma_wait3A_77 = tpu.memref_squeeze %dma_wait3A_76 : memref<1x1100xi32, #tpu.memory_space<hbm>> -> memref<1100xi32, #tpu.memory_space<hbm>>
      tpu.wait_dma2 semaphore(%arg15 : memref<!tpu.dma_semaphore, #tpu.memory_space<semaphore_mem>>) src(%dma_wait3A_77 : memref<1100xi32, #tpu.memory_space<hbm>>) dst(%arg9 : memref<1100xi32, #tpu.memory_space<vmem>>)
      %dma_wait3A_78 = arith.constant 0 : i32
      %dma_wait3A_79 = tpu.memref_slice %arg4[%mul3A_2, %dma_wait3A_78] : memref<1024x1024xi32, #tpu.memory_space<hbm>> -> memref<1x1024xi32, #tpu.memory_space<hbm>>
      %dma_wait3A_80 = tpu.memref_squeeze %dma_wait3A_79 : memref<1x1024xi32, #tpu.memory_space<hbm>> -> memref<1024xi32, #tpu.memory_space<hbm>>
      %dma_wait3A_81 = arith.constant 0 : i32
      %dma_wait3A_82 = tpu.memref_slice %arg4[%mul3A_2, %dma_wait3A_81] : memref<1024x1024xi32, #tpu.memory_space<hbm>> -> memref<1x1024xi32, #tpu.memory_space<hbm>>
      %dma_wait3A_83 = tpu.memref_squeeze %dma_wait3A_82 : memref<1x1024xi32, #tpu.memory_space<hbm>> -> memref<1024xi32, #tpu.memory_space<hbm>>
      tpu.wait_dma2 semaphore(%arg17 : memref<!tpu.dma_semaphore, #tpu.memory_space<semaphore_mem>>) src(%dma_wait3A_83 : memref<1024xi32, #tpu.memory_space<hbm>>) dst(%arg11 : memref<1024xi32, #tpu.memory_space<vmem>>)
      %broadcast_in_dim3A_84 = arith.constant 0.000000e+00 : f32
      %broadcast_in_dim3A_85 = vector.broadcast %broadcast_in_dim3A_84 : f32 to vector<16xf32>
      %scan3A_86 = arith.constant 0 : i32
      %scan3A_87 = arith.constant 64 : i32
      %scan3A_88 = arith.addi %scan3A_86, %scan3A_87 : i32
      %scan3A_89 = arith.constant 8 : i32
      %scan3A_90 = scf.for %scan3A_103 = %scan3A_86 to %scan3A_88 step %scan3A_89 iter_args(%scan3A_104 = %broadcast_in_dim3A_85) -> (vector<16xf32>)  : i32 {
        %mul3A_105 = arith.constant 16 : i32
        %mul3A_106 = arith.muli %scan3A_103, %mul3A_105 : i32
        %get3A = arith.index_cast %mul3A_106 : i32 to index
        %get3A_107 = tpu.vector_load %arg9[%get3A] {strides = array<i32>} : memref<1100xi32, #tpu.memory_space<vmem>>, vector<16xi32>,
        %mul3A_108 = arith.constant 16 : i32
        %mul3A_109 = arith.muli %scan3A_103, %mul3A_108 : i32
        %get3A_110 = arith.index_cast %mul3A_109 : i32 to index
        %get3A_111 = tpu.vector_load %arg11[%get3A_110] {strides = array<i32>} : memref<1024xi32, #tpu.memory_space<vmem>>, vector<16xi32>,
        %shift_left3A = arith.constant 10 : i32
        %shift_left3A_112 = vector.broadcast %shift_left3A : i32 to vector<16xi32>
        %shift_left3A_113 = arith.shli %get3A_107, %shift_left3A_112 : vector<16xi32>
        %or3A = arith.ori %shift_left3A_113, %get3A_111 : vector<16xi32>
        %gather3A = tpu.vector_load_idx %arg6[%or3A] : memref<102400xf32, #tpu.memory_space<vmem>>[vector<16xi32>], vector<16xf32>,
        %add3A_114 = arith.addf %scan3A_104, %gather3A : vector<16xf32>
        %scan3A_115 = arith.constant 1 : i32
        %scan3A_116 = arith.addi %scan3A_103, %scan3A_115 : i32
        %mul3A_117 = arith.constant 16 : i32
        %mul3A_118 = arith.muli %scan3A_116, %mul3A_117 : i32
        %get3A_119 = arith.index_cast %mul3A_118 : i32 to index
        %get3A_120 = tpu.vector_load %arg9[%get3A_119] {strides = array<i32>} : memref<1100xi32, #tpu.memory_space<vmem>>, vector<16xi32>,
        %mul3A_121 = arith.constant 16 : i32
        %mul3A_122 = arith.muli %scan3A_116, %mul3A_121 : i32
        %get3A_123 = arith.index_cast %mul3A_122 : i32 to index
        %get3A_124 = tpu.vector_load %arg11[%get3A_123] {strides = array<i32>} : memref<1024xi32, #tpu.memory_space<vmem>>, vector<16xi32>,
        %shift_left3A_125 = arith.constant 10 : i32
        %shift_left3A_126 = vector.broadcast %shift_left3A_125 : i32 to vector<16xi32>
        %shift_left3A_127 = arith.shli %get3A_120, %shift_left3A_126 : vector<16xi32>
        %or3A_128 = arith.ori %shift_left3A_127, %get3A_124 : vector<16xi32>
        %gather3A_129 = tpu.vector_load_idx %arg6[%or3A_128] : memref<102400xf32, #tpu.memory_space<vmem>>[vector<16xi32>], vector<16xf32>,
        %add3A_130 = arith.addf %add3A_114, %gather3A_129 : vector<16xf32>
        %scan3A_131 = arith.constant 2 : i32
        %scan3A_132 = arith.addi %scan3A_103, %scan3A_131 : i32
        %mul3A_133 = arith.constant 16 : i32
        %mul3A_134 = arith.muli %scan3A_132, %mul3A_133 : i32
        %get3A_135 = arith.index_cast %mul3A_134 : i32 to index
        %get3A_136 = tpu.vector_load %arg9[%get3A_135] {strides = array<i32>} : memref<1100xi32, #tpu.memory_space<vmem>>, vector<16xi32>,
        %mul3A_137 = arith.constant 16 : i32
        %mul3A_138 = arith.muli %scan3A_132, %mul3A_137 : i32
        %get3A_139 = arith.index_cast %mul3A_138 : i32 to index
        %get3A_140 = tpu.vector_load %arg11[%get3A_139] {strides = array<i32>} : memref<1024xi32, #tpu.memory_space<vmem>>, vector<16xi32>,
        %shift_left3A_141 = arith.constant 10 : i32
        %shift_left3A_142 = vector.broadcast %shift_left3A_141 : i32 to vector<16xi32>
        %shift_left3A_143 = arith.shli %get3A_136, %shift_left3A_142 : vector<16xi32>
        %or3A_144 = arith.ori %shift_left3A_143, %get3A_140 : vector<16xi32>
        %gather3A_145 = tpu.vector_load_idx %arg6[%or3A_144] : memref<102400xf32, #tpu.memory_space<vmem>>[vector<16xi32>], vector<16xf32>,
        %add3A_146 = arith.addf %add3A_130, %gather3A_145 : vector<16xf32>
        %scan3A_147 = arith.constant 3 : i32
        %scan3A_148 = arith.addi %scan3A_103, %scan3A_147 : i32
        %mul3A_149 = arith.constant 16 : i32
        %mul3A_150 = arith.muli %scan3A_148, %mul3A_149 : i32
        %get3A_151 = arith.index_cast %mul3A_150 : i32 to index
        %get3A_152 = tpu.vector_load %arg9[%get3A_151] {strides = array<i32>} : memref<1100xi32, #tpu.memory_space<vmem>>, vector<16xi32>,
        %mul3A_153 = arith.constant 16 : i32
        %mul3A_154 = arith.muli %scan3A_148, %mul3A_153 : i32
        %get3A_155 = arith.index_cast %mul3A_154 : i32 to index
        %get3A_156 = tpu.vector_load %arg11[%get3A_155] {strides = array<i32>} : memref<1024xi32, #tpu.memory_space<vmem>>, vector<16xi32>,
        %shift_left3A_157 = arith.constant 10 : i32
        %shift_left3A_158 = vector.broadcast %shift_left3A_157 : i32 to vector<16xi32>
        %shift_left3A_159 = arith.shli %get3A_152, %shift_left3A_158 : vector<16xi32>
        %or3A_160 = arith.ori %shift_left3A_159, %get3A_156 : vector<16xi32>
        %gather3A_161 = tpu.vector_load_idx %arg6[%or3A_160] : memref<102400xf32, #tpu.memory_space<vmem>>[vector<16xi32>], vector<16xf32>,
        %add3A_162 = arith.addf %add3A_146, %gather3A_161 : vector<16xf32>
        %scan3A_163 = arith.constant 4 : i32
        %scan3A_164 = arith.addi %scan3A_103, %scan3A_163 : i32
        %mul3A_165 = arith.constant 16 : i32
        %mul3A_166 = arith.muli %scan3A_164, %mul3A_165 : i32
        %get3A_167 = arith.index_cast %mul3A_166 : i32 to index
        %get3A_168 = tpu.vector_load %arg9[%get3A_167] {strides = array<i32>} : memref<1100xi32, #tpu.memory_space<vmem>>, vector<16xi32>,
        %mul3A_169 = arith.constant 16 : i32
        %mul3A_170 = arith.muli %scan3A_164, %mul3A_169 : i32
        %get3A_171 = arith.index_cast %mul3A_170 : i32 to index
        %get3A_172 = tpu.vector_load %arg11[%get3A_171] {strides = array<i32>} : memref<1024xi32, #tpu.memory_space<vmem>>, vector<16xi32>,
        %shift_left3A_173 = arith.constant 10 : i32
        %shift_left3A_174 = vector.broadcast %shift_left3A_173 : i32 to vector<16xi32>
        %shift_left3A_175 = arith.shli %get3A_168, %shift_left3A_174 : vector<16xi32>
        %or3A_176 = arith.ori %shift_left3A_175, %get3A_172 : vector<16xi32>
        %gather3A_177 = tpu.vector_load_idx %arg6[%or3A_176] : memref<102400xf32, #tpu.memory_space<vmem>>[vector<16xi32>], vector<16xf32>,
        %add3A_178 = arith.addf %add3A_162, %gather3A_177 : vector<16xf32>
        %scan3A_179 = arith.constant 5 : i32
        %scan3A_180 = arith.addi %scan3A_103, %scan3A_179 : i32
        %mul3A_181 = arith.constant 16 : i32
        %mul3A_182 = arith.muli %scan3A_180, %mul3A_181 : i32
        %get3A_183 = arith.index_cast %mul3A_182 : i32 to index
        %get3A_184 = tpu.vector_load %arg9[%get3A_183] {strides = array<i32>} : memref<1100xi32, #tpu.memory_space<vmem>>, vector<16xi32>,
        %mul3A_185 = arith.constant 16 : i32
        %mul3A_186 = arith.muli %scan3A_180, %mul3A_185 : i32
        %get3A_187 = arith.index_cast %mul3A_186 : i32 to index
        %get3A_188 = tpu.vector_load %arg11[%get3A_187] {strides = array<i32>} : memref<1024xi32, #tpu.memory_space<vmem>>, vector<16xi32>,
        %shift_left3A_189 = arith.constant 10 : i32
        %shift_left3A_190 = vector.broadcast %shift_left3A_189 : i32 to vector<16xi32>
        %shift_left3A_191 = arith.shli %get3A_184, %shift_left3A_190 : vector<16xi32>
        %or3A_192 = arith.ori %shift_left3A_191, %get3A_188 : vector<16xi32>
        %gather3A_193 = tpu.vector_load_idx %arg6[%or3A_192] : memref<102400xf32, #tpu.memory_space<vmem>>[vector<16xi32>], vector<16xf32>,
        %add3A_194 = arith.addf %add3A_178, %gather3A_193 : vector<16xf32>
        %scan3A_195 = arith.constant 6 : i32
        %scan3A_196 = arith.addi %scan3A_103, %scan3A_195 : i32
        %mul3A_197 = arith.constant 16 : i32
        %mul3A_198 = arith.muli %scan3A_196, %mul3A_197 : i32
        %get3A_199 = arith.index_cast %mul3A_198 : i32 to index
        %get3A_200 = tpu.vector_load %arg9[%get3A_199] {strides = array<i32>} : memref<1100xi32, #tpu.memory_space<vmem>>, vector<16xi32>,
        %mul3A_201 = arith.constant 16 : i32
        %mul3A_202 = arith.muli %scan3A_196, %mul3A_201 : i32
        %get3A_203 = arith.index_cast %mul3A_202 : i32 to index
        %get3A_204 = tpu.vector_load %arg11[%get3A_203] {strides = array<i32>} : memref<1024xi32, #tpu.memory_space<vmem>>, vector<16xi32>,
        %shift_left3A_205 = arith.constant 10 : i32
        %shift_left3A_206 = vector.broadcast %shift_left3A_205 : i32 to vector<16xi32>
        %shift_left3A_207 = arith.shli %get3A_200, %shift_left3A_206 : vector<16xi32>
        %or3A_208 = arith.ori %shift_left3A_207, %get3A_204 : vector<16xi32>
        %gather3A_209 = tpu.vector_load_idx %arg6[%or3A_208] : memref<102400xf32, #tpu.memory_space<vmem>>[vector<16xi32>], vector<16xf32>,
        %add3A_210 = arith.addf %add3A_194, %gather3A_209 : vector<16xf32>
        %scan3A_211 = arith.constant 7 : i32
        %scan3A_212 = arith.addi %scan3A_103, %scan3A_211 : i32
        %mul3A_213 = arith.constant 16 : i32
        %mul3A_214 = arith.muli %scan3A_212, %mul3A_213 : i32
        %get3A_215 = arith.index_cast %mul3A_214 : i32 to index
        %get3A_216 = tpu.vector_load %arg9[%get3A_215] {strides = array<i32>} : memref<1100xi32, #tpu.memory_space<vmem>>, vector<16xi32>,
        %mul3A_217 = arith.constant 16 : i32
        %mul3A_218 = arith.muli %scan3A_212, %mul3A_217 : i32
        %get3A_219 = arith.index_cast %mul3A_218 : i32 to index
        %get3A_220 = tpu.vector_load %arg11[%get3A_219] {strides = array<i32>} : memref<1024xi32, #tpu.memory_space<vmem>>, vector<16xi32>,
        %shift_left3A_221 = arith.constant 10 : i32
        %shift_left3A_222 = vector.broadcast %shift_left3A_221 : i32 to vector<16xi32>
        %shift_left3A_223 = arith.shli %get3A_216, %shift_left3A_222 : vector<16xi32>
        %or3A_224 = arith.ori %shift_left3A_223, %get3A_220 : vector<16xi32>
        %gather3A_225 = tpu.vector_load_idx %arg6[%or3A_224] : memref<102400xf32, #tpu.memory_space<vmem>>[vector<16xi32>], vector<16xf32>,
        %add3A_226 = arith.addf %add3A_210, %gather3A_225 : vector<16xf32>
        scf.yield %add3A_226 : vector<16xf32>
      }
      %scan3A_91 = arith.constant 64 : i32
      %swap3A_92 = arith.index_cast %add3A_71 : i32 to index
      %swap3A_93 = arith.constant 0 : index
      %swap3A_94 = tpu.vector_load %arg12[%swap3A_92, %swap3A_93] {strides = array<i32>} : memref<32x16xf32, #tpu.memory_space<vmem>>, vector<16xf32>,
      tpu.vector_store %arg12[%swap3A_92, %swap3A_93], %scan3A_90 {strides = array<i32>} : memref<32x16xf32, #tpu.memory_space<vmem>>, vector<16xf32>,
      %add3A_95 = arith.constant 2 : i32
      %add3A_96 = arith.addi %add3A_71, %add3A_95 : i32
      %lt3A_97 = arith.constant 32 : i32
      %lt3A_98 = arith.cmpi slt, %add3A_96, %lt3A_97 : i32
      %convert_element_type3A_99 = arith.extui %lt3A_98 : i1 to i32
      %cond3A_100 = arith.constant 0 : i32
      %cond3A_101 = arith.cmpi ne, %convert_element_type3A_99, %cond3A_100 : i32
      scf.if %cond3A_101 {
        %add3A_103 = arith.addi %mul3A_2, %add3A_71 : i32
        %add3A_104 = arith.constant 2 : i32
        %add3A_105 = arith.addi %add3A_103, %add3A_104 : i32
        %dma_start3A_106 = arith.constant 0 : i32
        %dma_start3A_107 = tpu.memref_slice %arg3[%add3A_105, %dma_start3A_106] : memref<1024x1100xi32, #tpu.memory_space<hbm>> -> memref<1x1100xi32, #tpu.memory_space<hbm>>
        %dma_start3A_108 = tpu.memref_squeeze %dma_start3A_107 : memref<1x1100xi32, #tpu.memory_space<hbm>> -> memref<1100xi32, #tpu.memory_space<hbm>>
        %dma_start3A_109 = arith.constant 0 : i32
        %dma_start3A_110 = tpu.memref_slice %arg3[%add3A_105, %dma_start3A_109] : memref<1024x1100xi32, #tpu.memory_space<hbm>> -> memref<1x1100xi32, #tpu.memory_space<hbm>>
        %dma_start3A_111 = tpu.memref_squeeze %dma_start3A_110 : memref<1x1100xi32, #tpu.memory_space<hbm>> -> memref<1100xi32, #tpu.memory_space<hbm>>
        tpu.enqueue_dma source(%dma_start3A_111 : memref<1100xi32, #tpu.memory_space<hbm>>) target(%arg9 : memref<1100xi32, #tpu.memory_space<vmem>>) target_semaphore(%arg15 : memref<!tpu.dma_semaphore, #tpu.memory_space<semaphore_mem>>)
        %add3A_112 = arith.addi %mul3A_2, %add3A_71 : i32
        %add3A_113 = arith.constant 2 : i32
        %add3A_114 = arith.addi %add3A_112, %add3A_113 : i32
        %dma_start3A_115 = arith.constant 0 : i32
        %dma_start3A_116 = tpu.memref_slice %arg4[%add3A_114, %dma_start3A_115] : memref<1024x1024xi32, #tpu.memory_space<hbm>> -> memref<1x1024xi32, #tpu.memory_space<hbm>>
        %dma_start3A_117 = tpu.memref_squeeze %dma_start3A_116 : memref<1x1024xi32, #tpu.memory_space<hbm>> -> memref<1024xi32, #tpu.memory_space<hbm>>
        %dma_start3A_118 = arith.constant 0 : i32
        %dma_start3A_119 = tpu.memref_slice %arg4[%add3A_114, %dma_start3A_118] : memref<1024x1024xi32, #tpu.memory_space<hbm>> -> memref<1x1024xi32, #tpu.memory_space<hbm>>
        %dma_start3A_120 = tpu.memref_squeeze %dma_start3A_119 : memref<1x1024xi32, #tpu.memory_space<hbm>> -> memref<1024xi32, #tpu.memory_space<hbm>>
        tpu.enqueue_dma source(%dma_start3A_120 : memref<1024xi32, #tpu.memory_space<hbm>>) target(%arg11 : memref<1024xi32, #tpu.memory_space<vmem>>) target_semaphore(%arg17 : memref<!tpu.dma_semaphore, #tpu.memory_space<semaphore_mem>>)
      } else {
      }
      %scan3A_102 = arith.constant 0 : i32
      scf.yield %scan3A_102 : i32
    }
    %scan3A_37 = arith.constant 16 : i32
    "tpu.region"() ({
      %run_scoped3A = tpu.sem_alloc : memref<!tpu.dma_semaphore, #tpu.memory_space<semaphore_mem>>
      %dma_start3A_38 = arith.constant 0 : i32
      %dma_start3A_39 = tpu.memref_slice %arg5[%mul3A_2, %dma_start3A_38] : memref<1024x16xf32, #tpu.memory_space<hbm>> -> memref<32x16xf32, #tpu.memory_space<hbm>>
      %dma_start3A_40 = arith.constant 0 : i32
      %dma_start3A_41 = tpu.memref_slice %arg5[%mul3A_2, %dma_start3A_40] : memref<1024x16xf32, #tpu.memory_space<hbm>> -> memref<32x16xf32, #tpu.memory_space<hbm>>
      tpu.enqueue_dma source(%arg12 : memref<32x16xf32, #tpu.memory_space<vmem>>) target(%dma_start3A_41 : memref<32x16xf32, #tpu.memory_space<hbm>>) target_semaphore(%run_scoped3A : memref<!tpu.dma_semaphore, #tpu.memory_space<semaphore_mem>>)
      %dma_wait3A = arith.constant 0 : i32
      %dma_wait3A_42 = tpu.memref_slice %arg5[%mul3A_2, %dma_wait3A] : memref<1024x16xf32, #tpu.memory_space<hbm>> -> memref<32x16xf32, #tpu.memory_space<hbm>>
      %dma_wait3A_43 = arith.constant 0 : i32
      %dma_wait3A_44 = tpu.memref_slice %arg5[%mul3A_2, %dma_wait3A_43] : memref<1024x16xf32, #tpu.memory_space<hbm>> -> memref<32x16xf32, #tpu.memory_space<hbm>>
      tpu.wait_dma2 semaphore(%run_scoped3A : memref<!tpu.dma_semaphore, #tpu.memory_space<semaphore_mem>>) src(%arg12 : memref<32x16xf32, #tpu.memory_space<vmem>>) dst(%dma_wait3A_44 : memref<32x16xf32, #tpu.memory_space<hbm>>)
      tpu.yield
    }) : () -> ()
    return
  }
}

module attributes {stable_mosaic.version = 14 : i64} {
  func.func @_prep_body(%arg0: memref<100x100xf32, #tpu.memory_space<vmem>>, %arg1: memref<100x1000xf32, #tpu.memory_space<vmem>>, %arg2: memref<1024x100xi32, #tpu.memory_space<vmem>>, %arg3: memref<100x1024xf32, #tpu.memory_space<vmem>>, %arg4: memref<1024x1024xi32, #tpu.memory_space<vmem>>) attributes {dimension_semantics = [], scalar_prefetch = 0 : i64, scratch_operands = 0 : i64, tpu.core_type = #tpu.core_type<tc>} {
    %get3A = arith.constant 0 : index
    %get3A_0 = arith.constant 0 : index
    %get3A_1 = vector.load %arg0[%get3A, %get3A_0] : memref<100x100xf32, #tpu.memory_space<vmem>>, vector<100x100xf32>
    %get3A_2 = arith.constant 0 : index
    %get3A_3 = arith.constant 0 : index
    %get3A_4 = vector.load %arg1[%get3A_2, %get3A_3] : memref<100x1000xf32, #tpu.memory_space<vmem>>, vector<100x100xf32>
    %dot_general3A = arith.constant dense<0.000000e+00> : vector<100x100xf32>
    %dot_general3A_5 = tpu.matmul %get3A_1, %get3A_4, %dot_general3A {dimension_numbers = #tpu.dot_dimension_numbers<[1], [1], [0], [0], [0, 0, 1, 0], [], []>, precision = #tpu.contract_precision<fp32>, transpose_lhs_hint = false} : vector<100x100xf32>, vector<100x100xf32>, vector<100x100xf32> -> vector<100x100xf32>
    %swap3A = arith.constant 0 : index
    %swap3A_6 = arith.constant 0 : index
    %swap3A_7 = vector.load %arg3[%swap3A, %swap3A_6] : memref<100x1024xf32, #tpu.memory_space<vmem>>, vector<100x100xf32>
    tpu.vector_store %arg3[%swap3A, %swap3A_6], %dot_general3A_5 {strides = array<i32>} : memref<100x1024xf32, #tpu.memory_space<vmem>>, vector<100x100xf32>,
    %get3A_8 = arith.constant 0 : index
    %get3A_9 = arith.constant 100 : index
    %get3A_10 = vector.load %arg1[%get3A_8, %get3A_9] : memref<100x1000xf32, #tpu.memory_space<vmem>>, vector<100x100xf32>
    %dot_general3A_11 = arith.constant dense<0.000000e+00> : vector<100x100xf32>
    %dot_general3A_12 = tpu.matmul %get3A_1, %get3A_10, %dot_general3A_11 {dimension_numbers = #tpu.dot_dimension_numbers<[1], [1], [0], [0], [0, 0, 1, 0], [], []>, precision = #tpu.contract_precision<fp32>, transpose_lhs_hint = false} : vector<100x100xf32>, vector<100x100xf32>, vector<100x100xf32> -> vector<100x100xf32>
    %swap3A_13 = arith.constant 0 : index
    %swap3A_14 = arith.constant 100 : index
    %swap3A_15 = vector.load %arg3[%swap3A_13, %swap3A_14] : memref<100x1024xf32, #tpu.memory_space<vmem>>, vector<100x100xf32>
    tpu.vector_store %arg3[%swap3A_13, %swap3A_14], %dot_general3A_12 {strides = array<i32>} : memref<100x1024xf32, #tpu.memory_space<vmem>>, vector<100x100xf32>,
    %get3A_16 = arith.constant 0 : index
    %get3A_17 = arith.constant 200 : index
    %get3A_18 = vector.load %arg1[%get3A_16, %get3A_17] : memref<100x1000xf32, #tpu.memory_space<vmem>>, vector<100x100xf32>
    %dot_general3A_19 = arith.constant dense<0.000000e+00> : vector<100x100xf32>
    %dot_general3A_20 = tpu.matmul %get3A_1, %get3A_18, %dot_general3A_19 {dimension_numbers = #tpu.dot_dimension_numbers<[1], [1], [0], [0], [0, 0, 1, 0], [], []>, precision = #tpu.contract_precision<fp32>, transpose_lhs_hint = false} : vector<100x100xf32>, vector<100x100xf32>, vector<100x100xf32> -> vector<100x100xf32>
    %swap3A_21 = arith.constant 0 : index
    %swap3A_22 = arith.constant 200 : index
    %swap3A_23 = vector.load %arg3[%swap3A_21, %swap3A_22] : memref<100x1024xf32, #tpu.memory_space<vmem>>, vector<100x100xf32>
    tpu.vector_store %arg3[%swap3A_21, %swap3A_22], %dot_general3A_20 {strides = array<i32>} : memref<100x1024xf32, #tpu.memory_space<vmem>>, vector<100x100xf32>,
    %get3A_24 = arith.constant 0 : index
    %get3A_25 = arith.constant 300 : index
    %get3A_26 = vector.load %arg1[%get3A_24, %get3A_25] : memref<100x1000xf32, #tpu.memory_space<vmem>>, vector<100x100xf32>
    %dot_general3A_27 = arith.constant dense<0.000000e+00> : vector<100x100xf32>
    %dot_general3A_28 = tpu.matmul %get3A_1, %get3A_26, %dot_general3A_27 {dimension_numbers = #tpu.dot_dimension_numbers<[1], [1], [0], [0], [0, 0, 1, 0], [], []>, precision = #tpu.contract_precision<fp32>, transpose_lhs_hint = false} : vector<100x100xf32>, vector<100x100xf32>, vector<100x100xf32> -> vector<100x100xf32>
    %swap3A_29 = arith.constant 0 : index
    %swap3A_30 = arith.constant 300 : index
    %swap3A_31 = vector.load %arg3[%swap3A_29, %swap3A_30] : memref<100x1024xf32, #tpu.memory_space<vmem>>, vector<100x100xf32>
    tpu.vector_store %arg3[%swap3A_29, %swap3A_30], %dot_general3A_28 {strides = array<i32>} : memref<100x1024xf32, #tpu.memory_space<vmem>>, vector<100x100xf32>,
    %get3A_32 = arith.constant 0 : index
    %get3A_33 = arith.constant 400 : index
    %get3A_34 = vector.load %arg1[%get3A_32, %get3A_33] : memref<100x1000xf32, #tpu.memory_space<vmem>>, vector<100x100xf32>
    %dot_general3A_35 = arith.constant dense<0.000000e+00> : vector<100x100xf32>
    %dot_general3A_36 = tpu.matmul %get3A_1, %get3A_34, %dot_general3A_35 {dimension_numbers = #tpu.dot_dimension_numbers<[1], [1], [0], [0], [0, 0, 1, 0], [], []>, precision = #tpu.contract_precision<fp32>, transpose_lhs_hint = false} : vector<100x100xf32>, vector<100x100xf32>, vector<100x100xf32> -> vector<100x100xf32>
    %swap3A_37 = arith.constant 0 : index
    %swap3A_38 = arith.constant 400 : index
    %swap3A_39 = vector.load %arg3[%swap3A_37, %swap3A_38] : memref<100x1024xf32, #tpu.memory_space<vmem>>, vector<100x100xf32>
    tpu.vector_store %arg3[%swap3A_37, %swap3A_38], %dot_general3A_36 {strides = array<i32>} : memref<100x1024xf32, #tpu.memory_space<vmem>>, vector<100x100xf32>,
    %get3A_40 = arith.constant 0 : index
    %get3A_41 = arith.constant 500 : index
    %get3A_42 = vector.load %arg1[%get3A_40, %get3A_41] : memref<100x1000xf32, #tpu.memory_space<vmem>>, vector<100x100xf32>
    %dot_general3A_43 = arith.constant dense<0.000000e+00> : vector<100x100xf32>
    %dot_general3A_44 = tpu.matmul %get3A_1, %get3A_42, %dot_general3A_43 {dimension_numbers = #tpu.dot_dimension_numbers<[1], [1], [0], [0], [0, 0, 1, 0], [], []>, precision = #tpu.contract_precision<fp32>, transpose_lhs_hint = false} : vector<100x100xf32>, vector<100x100xf32>, vector<100x100xf32> -> vector<100x100xf32>
    %swap3A_45 = arith.constant 0 : index
    %swap3A_46 = arith.constant 500 : index
    %swap3A_47 = vector.load %arg3[%swap3A_45, %swap3A_46] : memref<100x1024xf32, #tpu.memory_space<vmem>>, vector<100x100xf32>
    tpu.vector_store %arg3[%swap3A_45, %swap3A_46], %dot_general3A_44 {strides = array<i32>} : memref<100x1024xf32, #tpu.memory_space<vmem>>, vector<100x100xf32>,
    %get3A_48 = arith.constant 0 : index
    %get3A_49 = arith.constant 600 : index
    %get3A_50 = vector.load %arg1[%get3A_48, %get3A_49] : memref<100x1000xf32, #tpu.memory_space<vmem>>, vector<100x100xf32>
    %dot_general3A_51 = arith.constant dense<0.000000e+00> : vector<100x100xf32>
    %dot_general3A_52 = tpu.matmul %get3A_1, %get3A_50, %dot_general3A_51 {dimension_numbers = #tpu.dot_dimension_numbers<[1], [1], [0], [0], [0, 0, 1, 0], [], []>, precision = #tpu.contract_precision<fp32>, transpose_lhs_hint = false} : vector<100x100xf32>, vector<100x100xf32>, vector<100x100xf32> -> vector<100x100xf32>
    %swap3A_53 = arith.constant 0 : index
    %swap3A_54 = arith.constant 600 : index
    %swap3A_55 = vector.load %arg3[%swap3A_53, %swap3A_54] : memref<100x1024xf32, #tpu.memory_space<vmem>>, vector<100x100xf32>
    tpu.vector_store %arg3[%swap3A_53, %swap3A_54], %dot_general3A_52 {strides = array<i32>} : memref<100x1024xf32, #tpu.memory_space<vmem>>, vector<100x100xf32>,
    %get3A_56 = arith.constant 0 : index
    %get3A_57 = arith.constant 700 : index
    %get3A_58 = vector.load %arg1[%get3A_56, %get3A_57] : memref<100x1000xf32, #tpu.memory_space<vmem>>, vector<100x100xf32>
    %dot_general3A_59 = arith.constant dense<0.000000e+00> : vector<100x100xf32>
    %dot_general3A_60 = tpu.matmul %get3A_1, %get3A_58, %dot_general3A_59 {dimension_numbers = #tpu.dot_dimension_numbers<[1], [1], [0], [0], [0, 0, 1, 0], [], []>, precision = #tpu.contract_precision<fp32>, transpose_lhs_hint = false} : vector<100x100xf32>, vector<100x100xf32>, vector<100x100xf32> -> vector<100x100xf32>
    %swap3A_61 = arith.constant 0 : index
    %swap3A_62 = arith.constant 700 : index
    %swap3A_63 = vector.load %arg3[%swap3A_61, %swap3A_62] : memref<100x1024xf32, #tpu.memory_space<vmem>>, vector<100x100xf32>
    tpu.vector_store %arg3[%swap3A_61, %swap3A_62], %dot_general3A_60 {strides = array<i32>} : memref<100x1024xf32, #tpu.memory_space<vmem>>, vector<100x100xf32>,
    %get3A_64 = arith.constant 0 : index
    %get3A_65 = arith.constant 800 : index
    %get3A_66 = vector.load %arg1[%get3A_64, %get3A_65] : memref<100x1000xf32, #tpu.memory_space<vmem>>, vector<100x100xf32>
    %dot_general3A_67 = arith.constant dense<0.000000e+00> : vector<100x100xf32>
    %dot_general3A_68 = tpu.matmul %get3A_1, %get3A_66, %dot_general3A_67 {dimension_numbers = #tpu.dot_dimension_numbers<[1], [1], [0], [0], [0, 0, 1, 0], [], []>, precision = #tpu.contract_precision<fp32>, transpose_lhs_hint = false} : vector<100x100xf32>, vector<100x100xf32>, vector<100x100xf32> -> vector<100x100xf32>
    %swap3A_69 = arith.constant 0 : index
    %swap3A_70 = arith.constant 800 : index
    %swap3A_71 = vector.load %arg3[%swap3A_69, %swap3A_70] : memref<100x1024xf32, #tpu.memory_space<vmem>>, vector<100x100xf32>
    tpu.vector_store %arg3[%swap3A_69, %swap3A_70], %dot_general3A_68 {strides = array<i32>} : memref<100x1024xf32, #tpu.memory_space<vmem>>, vector<100x100xf32>,
    %get3A_72 = arith.constant 0 : index
    %get3A_73 = arith.constant 900 : index
    %get3A_74 = vector.load %arg1[%get3A_72, %get3A_73] : memref<100x1000xf32, #tpu.memory_space<vmem>>, vector<100x100xf32>
    %dot_general3A_75 = arith.constant dense<0.000000e+00> : vector<100x100xf32>
    %dot_general3A_76 = tpu.matmul %get3A_1, %get3A_74, %dot_general3A_75 {dimension_numbers = #tpu.dot_dimension_numbers<[1], [1], [0], [0], [0, 0, 1, 0], [], []>, precision = #tpu.contract_precision<fp32>, transpose_lhs_hint = false} : vector<100x100xf32>, vector<100x100xf32>, vector<100x100xf32> -> vector<100x100xf32>
    %swap3A_77 = arith.constant 0 : index
    %swap3A_78 = arith.constant 900 : index
    %swap3A_79 = vector.load %arg3[%swap3A_77, %swap3A_78] : memref<100x1024xf32, #tpu.memory_space<vmem>>, vector<100x100xf32>
    tpu.vector_store %arg3[%swap3A_77, %swap3A_78], %dot_general3A_76 {strides = array<i32>} : memref<100x1024xf32, #tpu.memory_space<vmem>>, vector<100x100xf32>,
    %broadcast_in_dim3A = arith.constant 0.000000e+00 : f32
    %broadcast_in_dim3A_80 = vector.broadcast %broadcast_in_dim3A : f32 to vector<100x24xf32>
    %swap3A_81 = arith.constant 0 : index
    %swap3A_82 = arith.constant 1000 : index
    %swap3A_83 = vector.load %arg3[%swap3A_81, %swap3A_82] : memref<100x1024xf32, #tpu.memory_space<vmem>>, vector<100x24xf32>
    tpu.vector_store %arg3[%swap3A_81, %swap3A_82], %broadcast_in_dim3A_80 {strides = array<i32>} : memref<100x1024xf32, #tpu.memory_space<vmem>>, vector<100x24xf32>,
    %iota3A = tpu.iota {dimensions = array<i32: 1>} : vector<100x1024xi32>
    %iota3A_84 = tpu.iota {dimensions = array<i32: 0>} : vector<100x1024xi32>
    %jit3A = arith.constant 10 : i32
    %div3A = vector.broadcast %jit3A : i32 to vector<100x1024xi32>
    %div3A_85 = arith.divsi %iota3A, %div3A : vector<100x1024xi32>
    %sign3A = arith.constant 0 : i32
    %sign3A_86 = vector.broadcast %sign3A : i32 to vector<100x1024xi32>
    %sign3A_87 = arith.cmpi sgt, %iota3A, %sign3A_86 : vector<100x1024xi32>
    %sign3A_88 = arith.extui %sign3A_87 : vector<100x1024xi1> to vector<100x1024xi32>
    %sign3A_89 = arith.constant 0 : i32
    %sign3A_90 = vector.broadcast %sign3A_89 : i32 to vector<100x1024xi32>
    %sign3A_91 = arith.cmpi slt, %iota3A, %sign3A_90 : vector<100x1024xi32>
    %sign3A_92 = arith.extui %sign3A_91 : vector<100x1024xi1> to vector<100x1024xi32>
    %sign3A_93 = arith.subi %sign3A_88, %sign3A_92 : vector<100x1024xi32>
    %sign3A_94 = arith.constant 0 : i32
    %sign3A_95 = arith.cmpi sgt, %jit3A, %sign3A_94 : i32
    %sign3A_96 = arith.extui %sign3A_95 : i1 to i32
    %sign3A_97 = arith.constant 0 : i32
    %sign3A_98 = arith.cmpi slt, %jit3A, %sign3A_97 : i32
    %sign3A_99 = arith.extui %sign3A_98 : i1 to i32
    %sign3A_100 = arith.subi %sign3A_96, %sign3A_99 : i32
    %ne3A = vector.broadcast %sign3A_100 : i32 to vector<100x1024xi32>
    %ne3A_101 = arith.cmpi ne, %sign3A_93, %ne3A : vector<100x1024xi32>
    %rem3A = vector.broadcast %jit3A : i32 to vector<100x1024xi32>
    %rem3A_102 = arith.remsi %iota3A, %rem3A : vector<100x1024xi32>
    %ne3A_103 = arith.constant 0 : i32
    %ne3A_104 = vector.broadcast %ne3A_103 : i32 to vector<100x1024xi32>
    %ne3A_105 = arith.cmpi ne, %rem3A_102, %ne3A_104 : vector<100x1024xi32>
    %and3A = arith.andi %ne3A_101, %ne3A_105 : vector<100x1024xi1>
    %sub3A = arith.constant 1 : i32
    %sub3A_106 = vector.broadcast %sub3A : i32 to vector<100x1024xi32>
    %sub3A_107 = arith.subi %div3A_85, %sub3A_106 : vector<100x1024xi32>
    %select_n3A = arith.select %and3A, %sub3A_107, %div3A_85 : vector<100x1024xi1>, vector<100x1024xi32>
    %eq3A = arith.cmpi eq, %select_n3A, %iota3A_84 : vector<100x1024xi32>
    %jit3A_108 = arith.constant 1.000000e+00 : f32
    %jit3A_109 = arith.constant 0.000000e+00 : f32
    %broadcast_in_dim3A_110 = vector.broadcast %jit3A_108 : f32 to vector<100x1024xf32>
    %broadcast_in_dim3A_111 = vector.broadcast %jit3A_109 : f32 to vector<100x1024xf32>
    %select_n3A_112 = arith.select %eq3A, %broadcast_in_dim3A_110, %broadcast_in_dim3A_111 : vector<100x1024xi1>, vector<100x1024xf32>
    %get3A_113 = arith.constant 0 : index
    %get3A_114 = arith.constant 0 : index
    %get3A_115 = vector.load %arg2[%get3A_113, %get3A_114] : memref<1024x100xi32, #tpu.memory_space<vmem>>, vector<1024x100xi32>
    %convert_element_type3A = arith.sitofp %get3A_115 : vector<1024x100xi32> to vector<1024x100xf32>
    %dot_general3A_116 = arith.constant dense<0.000000e+00> : vector<1024x1024xf32>
    %dot_general3A_117 = tpu.matmul %convert_element_type3A, %select_n3A_112, %dot_general3A_116 {dimension_numbers = #tpu.dot_dimension_numbers<[1], [0], [0], [1], [0, 0, 1, 1], [], []>, transpose_lhs_hint = false} : vector<1024x100xf32>, vector<100x1024xf32>, vector<1024x1024xf32> -> vector<1024x1024xf32>
    %iota3A_118 = tpu.iota {dimensions = array<i32: 1>} : vector<1x1024xi32>
    %lt3A = arith.constant 1000 : i32
    %lt3A_119 = vector.broadcast %lt3A : i32 to vector<1x1024xi32>
    %lt3A_120 = arith.cmpi slt, %iota3A_118, %lt3A_119 : vector<1x1024xi32>
    %jit3A_121 = arith.constant 10 : i32
    %eq3A_122 = arith.constant 0 : i32
    %eq3A_123 = arith.cmpi eq, %jit3A_121, %eq3A_122 : i32
    %jit3A_124 = arith.constant 1 : i32
    %select_n3A_125 = arith.select %eq3A_123, %jit3A_124, %jit3A_121 : i32
    %rem3A_126 = vector.broadcast %select_n3A_125 : i32 to vector<1x1024xi32>
    %rem3A_127 = arith.remsi %iota3A_118, %rem3A_126 : vector<1x1024xi32>
    %ne3A_128 = arith.constant 0 : i32
    %ne3A_129 = vector.broadcast %ne3A_128 : i32 to vector<1x1024xi32>
    %ne3A_130 = arith.cmpi ne, %rem3A_127, %ne3A_129 : vector<1x1024xi32>
    %lt3A_131 = arith.constant 0 : i32
    %lt3A_132 = vector.broadcast %lt3A_131 : i32 to vector<1x1024xi32>
    %lt3A_133 = arith.cmpi slt, %rem3A_127, %lt3A_132 : vector<1x1024xi32>
    %lt3A_134 = arith.constant 0 : i32
    %lt3A_135 = arith.cmpi slt, %select_n3A_125, %lt3A_134 : i32
    %ne3A_136 = vector.broadcast %lt3A_135 : i1 to vector<1x1024xi1>
    %ne3A_137 = vector.broadcast %ne3A_136 : vector<1x1024xi1> to vector<1x1024xi1>
    %ne3A_138 = arith.xori %lt3A_133, %ne3A_137 : vector<1x1024xi1>
    %and3A_139 = arith.andi %ne3A_138, %ne3A_130 : vector<1x1024xi1>
    %add3A = vector.broadcast %select_n3A_125 : i32 to vector<1x1024xi32>
    %add3A_140 = arith.addi %rem3A_127, %add3A : vector<1x1024xi32>
    %select_n3A_141 = arith.select %and3A_139, %add3A_140, %rem3A_127 : vector<1x1024xi1>, vector<1x1024xi32>
    %mul3A = arith.constant 100 : i32
    %mul3A_142 = vector.broadcast %mul3A : i32 to vector<1x1024xi32>
    %mul3A_143 = arith.muli %select_n3A_141, %mul3A_142 : vector<1x1024xi32>
    %jit3A_144 = arith.constant 1000 : i32
    %broadcast_in_dim3A_145 = vector.broadcast %jit3A_144 : i32 to vector<1x1024xi32>
    %select_n3A_146 = arith.select %lt3A_120, %mul3A_143, %broadcast_in_dim3A_145 : vector<1x1024xi1>, vector<1x1024xi32>
    %convert_element_type3A_147 = arith.fptosi %dot_general3A_117 : vector<1024x1024xf32> to vector<1024x1024xi32>
    %add3A_148 = vector.broadcast %select_n3A_146 : vector<1x1024xi32> to vector<1024x1024xi32>
    %add3A_149 = arith.addi %convert_element_type3A_147, %add3A_148 : vector<1024x1024xi32>
    %swap3A_150 = arith.constant 0 : index
    %swap3A_151 = arith.constant 0 : index
    %swap3A_152 = vector.load %arg4[%swap3A_150, %swap3A_151] : memref<1024x1024xi32, #tpu.memory_space<vmem>>, vector<1024x1024xi32>
    tpu.vector_store %arg4[%swap3A_150, %swap3A_151], %add3A_149 {strides = array<i32>} : memref<1024x1024xi32, #tpu.memory_space<vmem>>, vector<1024x1024xi32>,
    return
  }
}

module attributes {stable_mosaic.version = 14 : i64} {
  func.func @_mlp_body(%arg0: memref<1024x16xf32, #tpu.memory_space<vmem>>, %arg1: memref<1x100xf32, #tpu.memory_space<vmem>>, %arg2: memref<100xf32, #tpu.memory_space<vmem>>, %arg3: memref<100x100xf32, #tpu.memory_space<vmem>>, %arg4: memref<100xf32, #tpu.memory_space<vmem>>, %arg5: memref<100x1xf32, #tpu.memory_space<vmem>>, %arg6: memref<1xf32, #tpu.memory_space<vmem>>, %arg7: memref<1024x1xf32, #tpu.memory_space<vmem>>) attributes {dimension_semantics = [], scalar_prefetch = 0 : i64, scratch_operands = 0 : i64, tpu.core_type = #tpu.core_type<tc>} {
    %get3A = arith.constant 0 : index
    %get3A_0 = arith.constant 0 : index
    %get3A_1 = vector.load %arg0[%get3A, %get3A_0] : memref<1024x16xf32, #tpu.memory_space<vmem>>, vector<1024x16xf32>
    %reduce_sum3A = arith.constant dense<0.000000e+00> : vector<1024xf32>
    %reduce_sum3A_2 = vector.multi_reduction <add>, %get3A_1, %reduce_sum3A [1] : vector<1024x16xf32> to vector<1024xf32>
    %broadcast_in_dim3A = vector.shape_cast %reduce_sum3A_2 : vector<1024xf32> to vector<1024x1xf32>
    %get3A_3 = arith.constant 0 : index
    %get3A_4 = arith.constant 0 : index
    %get3A_5 = vector.load %arg1[%get3A_3, %get3A_4] : memref<1x100xf32, #tpu.memory_space<vmem>>, vector<1x100xf32>
    %mul3A = vector.broadcast %broadcast_in_dim3A : vector<1024x1xf32> to vector<1024x100xf32>
    %mul3A_6 = vector.broadcast %get3A_5 : vector<1x100xf32> to vector<1024x100xf32>
    %mul3A_7 = arith.mulf %mul3A, %mul3A_6 : vector<1024x100xf32>
    %get3A_8 = arith.constant 0 : index
    %get3A_9 = vector.load %arg2[%get3A_8] : memref<100xf32, #tpu.memory_space<vmem>>, vector<100xf32>
    %broadcast_in_dim3A_10 = vector.shape_cast %get3A_9 : vector<100xf32> to vector<1x100xf32>
    %add3A = vector.broadcast %broadcast_in_dim3A_10 : vector<1x100xf32> to vector<1024x100xf32>
    %add3A_11 = arith.addf %mul3A_7, %add3A : vector<1024x100xf32>
    %max3A = arith.constant 0.000000e+00 : f32
    %max3A_12 = vector.broadcast %max3A : f32 to vector<1024x100xf32>
    %max3A_13 = arith.maximumf %add3A_11, %max3A_12 : vector<1024x100xf32>
    %get3A_14 = arith.constant 0 : index
    %get3A_15 = arith.constant 0 : index
    %get3A_16 = vector.load %arg3[%get3A_14, %get3A_15] : memref<100x100xf32, #tpu.memory_space<vmem>>, vector<100x100xf32>
    %dot_general3A = arith.constant dense<0.000000e+00> : vector<1024x100xf32>
    %dot_general3A_17 = tpu.matmul %max3A_13, %get3A_16, %dot_general3A {dimension_numbers = #tpu.dot_dimension_numbers<[1], [0], [0], [1], [0, 0, 1, 1], [], []>, transpose_lhs_hint = false} : vector<1024x100xf32>, vector<100x100xf32>, vector<1024x100xf32> -> vector<1024x100xf32>
    %get3A_18 = arith.constant 0 : index
    %get3A_19 = vector.load %arg4[%get3A_18] : memref<100xf32, #tpu.memory_space<vmem>>, vector<100xf32>
    %broadcast_in_dim3A_20 = vector.shape_cast %get3A_19 : vector<100xf32> to vector<1x100xf32>
    %add3A_21 = vector.broadcast %broadcast_in_dim3A_20 : vector<1x100xf32> to vector<1024x100xf32>
    %add3A_22 = arith.addf %dot_general3A_17, %add3A_21 : vector<1024x100xf32>
    %max3A_23 = arith.constant 0.000000e+00 : f32
    %max3A_24 = vector.broadcast %max3A_23 : f32 to vector<1024x100xf32>
    %max3A_25 = arith.maximumf %add3A_22, %max3A_24 : vector<1024x100xf32>
    %get3A_26 = arith.constant 0 : index
    %get3A_27 = arith.constant 0 : index
    %get3A_28 = vector.load %arg5[%get3A_26, %get3A_27] : memref<100x1xf32, #tpu.memory_space<vmem>>, vector<100x1xf32>
    %dot_general3A_29 = arith.constant dense<0.000000e+00> : vector<1024x1xf32>
    %dot_general3A_30 = tpu.matmul %max3A_25, %get3A_28, %dot_general3A_29 {dimension_numbers = #tpu.dot_dimension_numbers<[1], [0], [0], [1], [0, 0, 1, 1], [], []>, transpose_lhs_hint = false} : vector<1024x100xf32>, vector<100x1xf32>, vector<1024x1xf32> -> vector<1024x1xf32>
    %get3A_31 = arith.constant 0 : index
    %get3A_32 = vector.load %arg6[%get3A_31] : memref<1xf32, #tpu.memory_space<vmem>>, vector<1xf32>
    %broadcast_in_dim3A_33 = vector.shape_cast %get3A_32 : vector<1xf32> to vector<1x1xf32>
    %add3A_34 = vector.broadcast %broadcast_in_dim3A_33 : vector<1x1xf32> to vector<1024x1xf32>
    %add3A_35 = arith.addf %dot_general3A_30, %add3A_34 : vector<1024x1xf32>
    %jit3A = arith.constant -7.90531111 : f32
    %jit3A_36 = arith.constant 7.90531111 : f32
    %max3A_37 = vector.broadcast %jit3A : f32 to vector<1024x1xf32>
    %max3A_38 = arith.maximumf %max3A_37, %add3A_35 : vector<1024x1xf32>
    %min3A = vector.broadcast %jit3A_36 : f32 to vector<1024x1xf32>
    %min3A_39 = arith.minimumf %min3A, %max3A_38 : vector<1024x1xf32>
    %mul3A_40 = arith.mulf %min3A_39, %min3A_39 : vector<1024x1xf32>
    %mul3A_41 = arith.constant -2.76076837E-16 : f32
    %mul3A_42 = vector.broadcast %mul3A_41 : f32 to vector<1024x1xf32>
    %mul3A_43 = arith.mulf %mul3A_40, %mul3A_42 : vector<1024x1xf32>
    %add3A_44 = arith.constant 2.00018794E-13 : f32
    %add3A_45 = vector.broadcast %add3A_44 : f32 to vector<1024x1xf32>
    %add3A_46 = arith.addf %mul3A_43, %add3A_45 : vector<1024x1xf32>
    %mul3A_47 = arith.mulf %mul3A_40, %add3A_46 : vector<1024x1xf32>
    %add3A_48 = arith.constant -8.60467184E-11 : f32
    %add3A_49 = vector.broadcast %add3A_48 : f32 to vector<1024x1xf32>
    %add3A_50 = arith.addf %mul3A_47, %add3A_49 : vector<1024x1xf32>
    %mul3A_51 = arith.mulf %mul3A_40, %add3A_50 : vector<1024x1xf32>
    %add3A_52 = arith.constant 5.12229725E-8 : f32
    %add3A_53 = vector.broadcast %add3A_52 : f32 to vector<1024x1xf32>
    %add3A_54 = arith.addf %mul3A_51, %add3A_53 : vector<1024x1xf32>
    %mul3A_55 = arith.mulf %mul3A_40, %add3A_54 : vector<1024x1xf32>
    %add3A_56 = arith.constant 1.48572235E-5 : f32
    %add3A_57 = vector.broadcast %add3A_56 : f32 to vector<1024x1xf32>
    %add3A_58 = arith.addf %mul3A_55, %add3A_57 : vector<1024x1xf32>
    %mul3A_59 = arith.mulf %mul3A_40, %add3A_58 : vector<1024x1xf32>
    %add3A_60 = arith.constant 6.37261954E-4 : f32
    %add3A_61 = vector.broadcast %add3A_60 : f32 to vector<1024x1xf32>
    %add3A_62 = arith.addf %mul3A_59, %add3A_61 : vector<1024x1xf32>
    %mul3A_63 = arith.mulf %mul3A_40, %add3A_62 : vector<1024x1xf32>
    %add3A_64 = arith.constant 0.00489352457 : f32
    %add3A_65 = vector.broadcast %add3A_64 : f32 to vector<1024x1xf32>
    %add3A_66 = arith.addf %mul3A_63, %add3A_65 : vector<1024x1xf32>
    %mul3A_67 = arith.constant 1.19825836E-6 : f32
    %mul3A_68 = vector.broadcast %mul3A_67 : f32 to vector<1024x1xf32>
    %mul3A_69 = arith.mulf %mul3A_40, %mul3A_68 : vector<1024x1xf32>
    %add3A_70 = arith.constant 1.18534706E-4 : f32
    %add3A_71 = vector.broadcast %add3A_70 : f32 to vector<1024x1xf32>
    %add3A_72 = arith.addf %mul3A_69, %add3A_71 : vector<1024x1xf32>
    %mul3A_73 = arith.mulf %mul3A_40, %add3A_72 : vector<1024x1xf32>
    %add3A_74 = arith.constant 0.00226843474 : f32
    %add3A_75 = vector.broadcast %add3A_74 : f32 to vector<1024x1xf32>
    %add3A_76 = arith.addf %mul3A_73, %add3A_75 : vector<1024x1xf32>
    %mul3A_77 = arith.mulf %mul3A_40, %add3A_76 : vector<1024x1xf32>
    %add3A_78 = arith.constant 0.00489352504 : f32
    %add3A_79 = vector.broadcast %add3A_78 : f32 to vector<1024x1xf32>
    %add3A_80 = arith.addf %mul3A_77, %add3A_79 : vector<1024x1xf32>
    %mul3A_81 = arith.mulf %min3A_39, %add3A_66 : vector<1024x1xf32>
    %div3A = arith.divf %mul3A_81, %add3A_80 : vector<1024x1xf32>
    %abs3A = math.absf %add3A_35 : vector<1024x1xf32>
    %lt3A = arith.constant 4.000000e-04 : f32
    %lt3A_82 = vector.broadcast %lt3A : f32 to vector<1024x1xf32>
    %lt3A_83 = arith.cmpf olt, %abs3A, %lt3A_82 : vector<1024x1xf32>
    %select_n3A = arith.select %lt3A_83, %add3A_35, %div3A : vector<1024x1xi1>, vector<1024x1xf32>
    %swap3A = arith.constant 0 : index
    %swap3A_84 = arith.constant 0 : index
    %swap3A_85 = vector.load %arg7[%swap3A, %swap3A_84] : memref<1024x1xf32, #tpu.memory_space<vmem>>, vector<1024x1xf32>
    tpu.vector_store %arg7[%swap3A, %swap3A_84], %select_n3A {strides = array<i32>} : memref<1024x1xf32, #tpu.memory_space<vmem>>, vector<1024x1xf32>,
    return
  }
}

</mosaic_0001>

<sc_bundles>
// kernel: kernel.5.cloned.1.call-start
scs
__scs_entry_jumppad:
0x0: {  	(pc) =	sbr.rel $0x88, $3  }
0x1: {  	(tag) =	ssettag $0x0;
	lr =	simm.s32 $0x1  }
0x2: {  	[smem:$0x3F98] =	sst lr;
	_ =	strace $0xD0000000  }
0x3: {  	_ = 	snop  }
0x4: {  	_ = 	snop  }
0x5: {  	_ = 	snop  }
0x6: {  	_ = 	snop  }
0x7: {  	_ = 	snop  }
__scs_overlays_trampoline_lowered:
0x8: {  	[smem:$0x3FA7] =	sst s0  }
0x9: {  	[smem:$0x3FA8] =	sst s1  }
0xa: {  	[smem:$0x3FA9] =	sst s2  }
0xb: {  	[smem:$0x3FAA] =	sst s3  }
0xc: {  	[smem:$0x3FAB] =	sst s4  }
0xd: {  	[smem:$0x3FAC] =	sst s5  }
0xe: {  	[smem:$0x3FAD] =	sst s6  }
0xf: {  	[smem:$0x3FAE] =	sst s7  }
0x10: {  	[smem:$0x3FAF] =	sst s8  }
0x11: {  	[smem:$0x3FB0] =	sst s9;
	s0 =	simm.s32 @!p0 $0x0  }
0x12: {  	s1 =	sld [smem:$0x3F96];
	s0 =	simm.s32 @p0 $0x1  }
0x13: {  	[smem:$0x3FB1] =	sst s0;
	s0 =	simm.s32 @!p1 $0x0  }
0x14: {  	s2 =	sld [smem:$0x3F95];
	s0 =	simm.s32 @p1 $0x1  }
0x15: {  	[smem:$0x3FB2] =	sst s0;
	s0 =	simm.s32 @!p2 $0x0  }
0x16: {  	s3 =	sld [smem:$0x3FDB];
	s0 =	simm.s32 @p2 $0x1  }
0x17: {  	s4 =	simm.s32 $0x1BF5;
	[smem:$0x3FB4] =	sst s0  }
0x18: {  	s0 =	sld [smem:$0x3F97];
	_ =	swait.ge [sflag:s4], $0x0  }
0x19: {  	s7 =	sld [smem:$0x3F98]  }
0x1a: {  	s8 =	sadd.s32 $0xFFFFE003, lr  }
0x1b: {  	s9 =	sadd.s32 $0xFFFFFEF7, lr;
	s5 =	simm.s32 $0xFFFFFFFF;
	p2 =	slt.u32 s8, $0xFFFFF086  }
0x1c: {  	p1 =	slt.u32 s9, $0xF7A;
	s5 =	simm.s32 @!p2 $0x0  }
0x1d: {  	s5 =	simm.s32 @p1 $0x1;
	p0 =	seq.s32 s7, s2  }
0x1e: {  	s7 =	smul.u32 @!p0 $0xF7A, s2;
	p2 =	seq.s32 @!p0 s5, $0x0  }
0x1f: {  	s9 =	smul.u32 $0xF7A, s1;
	s8 =	simm.s32 @!p0 $0x1BF5;
	p2 =	por !p2, p0  }
0x20: {  	[sflag:s8] =	ssyncset.s32 @!p0 $0xFFFFF086;
	s6 =	sadd.s32 @!p0 s3, s7;
	s7 =	simm.s32 @!p0 $0x108  }
0x21: {  	s3 =	sadd.s32 s3, s9;
	s6 =	sadd.s32 @!p0 $0x88, s6;
	s7 =	simm.s32 @p2 $0x1082  }
0x22: {  	[simem:s7], [sflag:s8] =	dma.local @!p0 [hbm:s6], $0xF7A  }
0x23: {  	s9 =	sor.u32 $0xD0000000, s2;
	s6 =	simm.s32 $0x108;
	_ =	swait.ge @!p0 [sflag:s8], $0x0  }
0x24: {  	s3 =	sadd.s32 $0x88, s3;
	s6 =	simm.s32 @!p1 $0x1082;
	[sflag:s4] =	ssyncset.s32 $0xFFFFF086  }
0x25: {  	[simem:s6], [sflag:s4] =	dma.local [hbm:s3], $0xF7A  }
0x26: {  	[smem:$0x3F98] =	sst s1;
	(tag) =	ssettag s2;
	_ =	strace s9  }
0x27: {  	s1 =	sld [smem:$0x3FA8]  }
0x28: {  	s2 =	sld [smem:$0x3FA9]  }
0x29: {  	s4 =	sld [smem:$0x3FAB]  }
0x2a: {  	p0 =	seq.s32 s5, $0x0;
	s5 =	sld [smem:$0x3FAC]  }
0x2b: {  	s6 =	sld [smem:$0x3FAD]  }
0x2c: {  	s7 =	sld [smem:$0x3FAE]  }
0x2d: {  	s3 =	simm.s32 $0x108;
	s8 =	sld [smem:$0x3FAF]  }
0x2e: {  	s3 =	simm.s32 @!p0 $0x1082;
	s9 =	sld [smem:$0x3FB0]  }
0x2f: {  	lr =	sadd.s32 s0, s3;
	s0 =	sld [smem:$0x3FA7]  }
0x30: {  	s3 =	sld [smem:$0x3FAA]  }
0x31: {  	[smem:$0x3FB3] =	sst s10  }
0x32: {  	s10 =	sld [smem:$0x3FB1];
	_ =	sdelay $0x3  }
0x33: {  	p0 =	seq.s32 s10, $0x1;
	s10 =	sld [smem:$0x3FB3];
	_ =	sdelay $0x3  }
0x34: {  	[smem:$0x3FB3] =	sst s10  }
0x35: {  	s10 =	sld [smem:$0x3FB2];
	_ =	sdelay $0x3  }
0x36: {  	p1 =	seq.s32 s10, $0x1;
	s10 =	sld [smem:$0x3FB3];
	_ =	sdelay $0x3  }
0x37: {  	[smem:$0x3FB3] =	sst s10  }
0x38: {  	s10 =	sld [smem:$0x3FB4]  }
0x39: {  	_ = 	snop;
	(pc) =	sbr.ind lr, $3  }
0x3a: {  	_ = 	snop  }
0x3b: {  	_ = 	snop  }
0x3c: {  	p2 =	seq.s32 s10, $0x1;
	s10 =	sld [smem:$0x3FB3]  }
0x3d: {  	_ =	shalt  }
0x3e: {  	_ =	shalt  }
0x3f: {  	_ =	shalt  }
0x40: {  	_ =	shalt  }
0x41: {  	_ =	shalt  }
0x42: {  	_ =	shalt  }
0x43: {  	_ =	shalt  }
0x44: {  	_ =	shalt  }
0x45: {  	_ =	shalt  }
0x46: {  	_ =	shalt  }
0x47: {  	_ =	shalt  }
0x48: {  	_ =	shalt  }
0x49: {  	_ =	shalt  }
0x4a: {  	_ =	shalt  }
0x4b: {  	_ =	shalt  }
0x4c: {  	_ =	shalt  }
0x4d: {  	_ =	shalt  }
0x4e: {  	_ =	shalt  }
0x4f: {  	_ =	shalt  }
0x50: {  	_ =	shalt  }
0x51: {  	_ =	shalt  }
0x52: {  	_ =	shalt  }
0x53: {  	_ =	shalt  }
0x54: {  	_ =	shalt  }
0x55: {  	_ =	shalt  }
0x56: {  	_ =	shalt  }
0x57: {  	_ =	shalt  }
0x58: {  	_ =	shalt  }
0x59: {  	_ =	shalt  }
0x5a: {  	_ =	shalt  }
0x5b: {  	_ =	shalt  }
0x5c: {  	_ =	shalt  }
0x5d: {  	_ =	shalt  }
0x5e: {  	_ =	shalt  }
0x5f: {  	_ =	shalt  }
0x60: {  	_ =	shalt  }
0x61: {  	_ =	shalt  }
0x62: {  	_ =	shalt  }
0x63: {  	_ =	shalt  }
0x64: {  	_ =	shalt  }
0x65: {  	_ =	shalt  }
0x66: {  	_ =	shalt  }
0x67: {  	_ =	shalt  }
0x68: {  	_ =	shalt  }
0x69: {  	_ =	shalt  }
0x6a: {  	_ =	shalt  }
0x6b: {  	_ =	shalt  }
0x6c: {  	_ =	shalt  }
0x6d: {  	_ =	shalt  }
0x6e: {  	_ =	shalt  }
0x6f: {  	_ =	shalt  }
0x70: {  	_ =	shalt  }
0x71: {  	_ =	shalt  }
0x72: {  	_ =	shalt  }
0x73: {  	_ =	shalt  }
0x74: {  	_ =	shalt  }
0x75: {  	_ =	shalt  }
0x76: {  	_ =	shalt  }
0x77: {  	_ =	shalt  }
0x78: {  	_ =	shalt  }
0x79: {  	_ =	shalt  }
0x7a: {  	_ =	shalt  }
0x7b: {  	_ =	shalt  }
0x7c: {  	_ =	shalt  }
0x7d: {  	_ =	shalt  }
0x7e: {  	_ =	shalt  }
0x7f: {  	_ =	shalt  }
0x80: {  	_ =	shalt  }
0x81: {  	_ =	shalt  }
0x82: {  	_ =	shalt  }
0x83: {  	_ =	shalt  }
0x84: {  	_ =	shalt  }
0x85: {  	_ =	shalt  }
0x86: {  	_ =	shalt  }
0x87: {  	_ =	shalt  }
.Lfunc_end0:
.L_simem_size_0:
called_computation_lowered:
.L_overlay_start_0:
0x88: {  	s2 =	sld [smem:$0x3FD9]  }
0x89: {  	s3 =	sld [smem:$0x3FFE];
	_ =	sdelay $0x1  }
0x8a: {  	s1 =	srdreg.scid  }
0x8b: {  	s0 =	sand.u32 $0x1, s1  }
0x8c: {  	s16 =	sshll.u32 s0, $0xA;
	s2 =	sadd.s32 s3, s2  }
0x8d: {  	s2 =	sadd.s32 s2, s16  }
0x8e: {  	[smem:$0x3FBF] =	sst s2  }
0x8f: {  	_ = 	snop  }
0x90: {  	(tm) =	ssettm $0x1  }
0x91: {  	s17 =	sld [smem:$0x3FFB];
	_ =	sdelay $0x3  }
0x92: {  	_ =	strace s17  }
0x93: {  	s2 =	sld [smem:$0x3FFC];
	_ =	sdelay $0x3  }
0x94: {  	_ =	strace s2  }
0x95: {  	s2 =	sld [smem:$0x3FFD];
	_ =	sdelay $0x3  }
0x96: {  	_ =	strace s2  }
0x97: {  	_ =	strace $0x8FFFFFFF  }
0x98: {  	s18 =	sld [smem:$0x3FDB];
	_ =	sdelay $0x1  }
0x99: {  	s19 =	simm.s32 $_scs_section_size  }
0x9a: {  	s4 =	simm.s32 $_size__tile_overlayer_lowered;
	s5 =	simm.s32 $_tile_overlayer_lowered  }
0x9b: {  	s22 =	simm.s32 $0x1BFF;
	s21 =	sshll.u32 s5, $0x1;
	s2 =	sadd.s32 s19, s18  }
0x9c: {  	s6 =	simm.s32 $0x0;
	s20 =	sshll.u32 s4, $0x1;
	s4 =	sadd.s32 s21, s2  }
0x9d: {  	[timem:s6], [sflag:s22] =	dma.local [hbm:s4], s20  }
0x9e: {  	_ =	swait.ge [sflag:s22], s20  }
0x9f: {  	s3 =	ssub.s32 $0x0, s20;
	[sflag:s22] =	ssyncset.done $0x0  }
0xa0: {  	[sflag:s22] =	ssyncadd.s32 s3;
	_ =	sdelay $0x1  }
0xa1: {  	s23 =	simm.s32 $0x1B8B  }
0xa2: {  	_ =	swait.ge [sflag:s23], $0x1  }
0xa3: {  	[sflag:s23] =	ssyncset.done $0x0  }
0xa4: {  	s25 =	simm.s32 $0x1B8E;
	s24 =	sld [smem:$0x3FFE];
	[sflag:s23] =	ssyncadd.s32 $0xFFFFFFFF  }
0xa5: {  	s26 =	simm.s32 $execute0_lowered;
	[smem:$0x3FD2] =	sst s25  }
0xa6: {  	s4 =	sshll.u32 s26, $0x1;
	_ =	strace $0x80000046;
	[dreg:$0x1] =	wrdreg $0xFFFFFFFF  }
0xa7: {  	s28 =	simm.s32 $_size_execute0_lowered;
	s2 =	sadd.s32 s2, s4;
	[dreg:$0x0] =	wrdreg $0x0  }
0xa8: {  	s4 =	sshll.u32 s28, $0x1;
	[dreg:$0x2] =	wrdreg s2  }
0xa9: {  	[dreg:$0x3] =	wrdreg s4  }
0xaa: {  	[dreg:$0x4] =	wrdreg $0xC0  }
0xab: {  	_ =	task [dreg:s6], $0x5FFFF  }
0xac: {  	[dreg:$0x1] =	wrdreg $0xFFFFFFFF  }
0xad: {  	[dreg:$0x0] =	wrdreg $0x60  }
0xae: {  	[dreg:$0x2] =	wrdreg s24  }
0xaf: {  	[dreg:$0x3] =	wrdreg $0x190000  }
0xb0: {  	[dreg:$0x4] =	wrdreg $0x9  }
0xb1: {  	_ =	task.clear_ibuf [dreg:s6], $0x5FFFF;
	_ =	strace $0x90000046  }
0xb2: {  	s29 =	simm.s32 $0x9;
	_ =	strace $0x80000048  }
0xb3: {  	_ =	swait.ge [sflag:s29], $0x1  }
0xb4: {  	[sflag:s29] =	ssyncadd.s32 $0xFFFFFFFF  }
0xb5: {  	_ =	strace $0x90000048  }
0xb6: {  	_ =	sfence  }
0xb7: {  	s30 =	sld [smem:$0x0];
	_ =	sdelay $0x2  }
0xb8: {  	s31 =	sshll.u32 s1, $0xD;
	s1 =	sshrl.u32 s1, $0x2  }
0xb9: {  	s3 =	sand.u32 $0x4000, s31;
	s1 =	sadd.s32 s1, s30  }
0xba: {  	s0 =	sor.u32 s3, s0;
	s1 =	sshll.u32 s1, $0x11  }
0xbb: {  	s0 =	sor.u32 s1, s0  }
0xbc: {  	s0 =	sadd.s32 $0x8F2B, s0  }
0xbd: {  	[sflag:s0] =	ssyncadd.remote.s32 $0x1  }
0xbe: {  	_ =	sfence.sel $0xFFFF  }
0xbf: {  	[dreg:$0x0] =	wrdreg $0xFFFFFFFF;
	(pc) =	sbr.abs _section_cstart, $3  }
0xc0: {  	[dreg:$0x1] =	wrdreg $0xFFFFFFFF  }
0xc1: {  	_ =	task.clear_ibuf [dreg:s6], $0x2FFFF;
	_ =	strace $0x9FFFFFFF  }
0xc2: {  	(tm) =	ssettm $0x7FFFFFFF  }
0xc3: {  	_ =	shalt  }
tec
execute0_lowered:
.L_overlay_start_1:
0x0: {  	(tag) =	ssettag $0x1  }
0x1: {  	s0 =	rddreg [dreg:$0x0]  }
0x2: {  	s3 =	srdreg.scid;
	s2 =	simm.s32 $0x0;
	s13 =	stileid.u32  }
0x3: {  	s14 =	simm.s32 $0x400;
	s17 =	simm.s32 $0x1AD80;
	s18 =	simm.s32 $0x1B600  }
0x4: {  	s19 =	simm.s32 $0x1;
	s20 =	simm.s32 $0x10;
	s21 =	simm.s32 $0x1C01  }
0x5: {  	s22 =	simm.s32 $0x6;
	s23 =	simm.s32 $0x2;
	s24 =	simm.s32 $0x4  }
0x6: {  	s25 =	simm.s32 $0x3;
	s26 =	simm.s32 $0x5;
	s7 =	sand.u32 $0x1, s3  }
0x7: {  	s29 =	simm.s32 $0x0;
	s4 =	sshll.u32 s13, $0x6;
	s5 =	sshll.u32 s7, $0x5  }
0x8: {  	[smem:$0x7FF] =	sst s2;
	s3 =	sadd.s32 $0x45E00, s0;
	s4 =	sor.u32 s5, s4  }
0x9: {  	s6 =	sadd.s32 $0x25E00, s0;
	p0 =	sne.s32 s13, $0x0;
	s8 =	sshrl.u32 s4, $0x3  }
0xa: {  	s13 =	simm.s32 $0x80;
	_ =	strace $0x80000047;
	s8 =	smul.u32 $0x480, s8  }
.Ltmp0:
0xb: {  	s7 =	ssub.s32 $0x2, s7;
	s5 =	sadd.s32 $0x1E00, s0;
	(pc) =	sbr.rel .LBB2_1-.Ltmp0, $4  }
0xc: {  	s31 =	sshrl.u32 s7, $0x1;
	s9 =	sshll.u32 s4, $0x4;
	s10 =	sshll.u32 s4, $0x7  }
0xd: {  	s12 =	ssub.s32 s7, s31;
	s0 =	sadd.s32 s9, s0;
	s7 =	sadd.s32 s5, s8  }
0xe: {  	s12 =	smax.u32 s12, $0x1;
	s8 =	sadd.s32 s6, s10;
	s1 =	sadd.s32 $0x10, s7  }
0xf: {  	s11 =	sadd.s32 $0x49200, s0;
	s10 =	sadd.s32 $0x10, s8;
	[dreg:$0x3] =	wrdreg s1  }
.LBB2_14:
0x10: {  	s29 =	sadd.s32 $0x1, s29  }
0x11: {  	p1 =	sne.s32 s29, s12  }
.Ltmp1:
0x12: {  	s0 =	simm.s32 $0x1BA00;
	(pc) =	sbr.rel @!p1 .LBB2_15-.Ltmp1, $4  }
0x13: {  	[hbm4b:s11+s2] =	stream.linear.scatter [tilespmem:s0], [sflag:$0x6], $0x1000, $0x38;
	[tilespmem:$0x1CA00] =	vst v63  }
0x14: {  	_ =	swait.ge [sflag:s22], $0x1000  }
0x15: {  	[sflag:s22] =	ssyncset.done $0x0  }
0x16: {  	[sflag:s22] =	ssyncadd.s32 $0xFFFFF000  }
.LBB2_1:
0x17: {  	s0 =	simm.s32 $0x1A900  }
0x18: {  	[tilespmem:s0], [sflag:$0x2] =	stream.strided.gather [hbm4b:s7+s13], $0x480, s14, s13, $0x38;
	[tilespmem:$0x1CA00] =	vst v63  }
0x19: {  	s30 =	simm.s32 $0x1B200  }
0x1a: {  	[tilespmem:s30], [sflag:$0x4] =	stream.strided.gather [hbm4b:s8+s13], $0x400, s14, s13, $0x38;
	[tilespmem:$0x1CA00] =	vst v63  }
.Ltmp2:
0x1b: {  	_ = 	snop;
	(pc) =	sbr.rel @p0 .LBB2_7-.Ltmp2, $4  }
0x1c: {  	s31 =	rddreg [dreg:$0x3]  }
0x1d: {  	[tilespmem:s17], [sflag:$0x3] =	stream.strided.gather [hbm4b:s31+s13], $0x480, s14, s13, $0x38;
	[tilespmem:$0x1CA00] =	vst v63  }
0x1e: {  	_ = 	snop  }
0x1f: {  	[tilespmem:s18], [sflag:$0x5] =	stream.strided.gather [hbm4b:s10+s13], $0x400, s14, s13, $0x38;
	[tilespmem:$0x1CA00] =	vst v63  }
0x20: {  	s0 =	sand.u32 $0x70, s2  }
0x21: {  	s15 =	sand.u32 $0x3C00, s2;
	s16 =	rddreg [dreg:$0x1];
	s0 =	sadd.s32 s3, s0  }
0x22: {  	s31 =	sshrl.u32 s16, $0x3;
	s0 =	sadd.s32 s15, s0  }
0x23: {  	[spmem:s31@s20], [sflag:s21] =	dma.strided [hbm:s0@s13], $0x80, s19, $0x10   }
0x24: {  	s15 =	simm.s32 $0x10;
	s0 =	simm.s32 $0x80  }
.LBB2_3:
0x25: {  	s30 =	sand.u32 $0x70, s15;
	p1 =	sne.s32 s0, $0x3180  }
0x26: {  	s31 =	smov.u32 s0;
	s0 =	sadd.s32 $0x80, s0;
	s16 =	sadd.s32 $0x400, s16  }
.Ltmp3:
0x27: {  	s31 =	sand.u32 $0x3C00, s31;
	s30 =	sadd.s32 s3, s30;
	(pc) =	sbr.rel @p1 .LBB2_3-.Ltmp3, $4  }
0x28: {  	s30 =	sadd.s32 s31, s30;
	s31 =	sshrl.u32 s16, $0x3  }
0x29: {  	[spmem:s31@s20], [sflag:s21] =	dma.strided [hbm:s30@s13], $0x80, s19, $0x10   }
0x2a: {  	_ = 	snop  }
0x2b: {  	s15 =	sadd.s32 $0x10, s15  }
0x2c: {  	_ =	swait.ge [sflag:s19], $0x80  }
0x2d: {  	s0 =	simm.s32 $0x63;
	[sflag:s19] =	ssyncset.done $0x0  }
.LBB2_5:
0x2e: {  	p1 =	sne.s32 s0, $0x1;
	s0 =	sadd.s32 $0xFFFFFFFF, s0;
	[sflag:s19] =	ssyncadd.s32 $0xFFFFFF80  }
.Ltmp4:
0x2f: {  	(pc) =	sbr.rel @p1 .LBB2_5-.Ltmp4, $3  }
0x30: {  	_ =	sdelay $0x1  }
0x31: {  	_ =	swait.ge [sflag:s19], $0x80  }
0x32: {  	[sflag:s19] =	ssyncset.done $0x0  }
0x33: {  	[sflag:s19] =	ssyncadd.s32 $0xFFFFFF80  }
.LBB2_7:
0x34: {  	[bflag:$0x0] =	sbarrier.arrive $0xFFFF  }
0x35: {  	s30 =	simm.s32 $0x0;
	s0 =	rddreg [dreg:$0x1]  }
0x36: {  	[tilespmem:s30], [sflag:$0x6] =	stream.linear.gather [spmem:s0], $0x19000, $0x38;
	[tilespmem:$0x1CA00] =	vst v63  }
0x37: {  	_ =	swait.ge [sflag:s22], $0x19000  }
0x38: {  	[sflag:s22] =	ssyncset.done $0x0  }
0x39: {  	[sflag:s22] =	ssyncadd.s32 $0xFFFE7000  }
.LBB2_8:
0x3a: {  	_ =	swait.ge [sflag:s23], $0x480  }
0x3b: {  	[sflag:s23] =	ssyncset.done $0x0  }
0x3c: {  	[sflag:s23] =	ssyncadd.s32 $0xFFFFFB80  }
0x3d: {  	_ =	swait.ge [sflag:s24], $0x400  }
0x3e: {  	[sflag:s24] =	ssyncset.done $0x0  }
0x3f: {  	s0 =	simm.s32 $0x1B240;
	[sflag:s24] =	ssyncadd.s32 $0xFFFFFC00  }
0x40: {  	v0 =	vld [tilespmem:s0+$0x30]  }
0x41: {  	v1 =	vld [tilespmem:s0+$0x20]  }
0x42: {  	s31 =	simm.s32 $0x1A940;
	v2 =	vld [tilespmem:s0+$0x10]  }
0x43: {  	v3 =	vld [tilespmem:s31+$0xFFFFFFC0]  }
0x44: {  	v4 =	vld [tilespmem:s0+$0xFFFFFFC0]  }
0x45: {  	v5 =	vld [tilespmem:s31+$0xFFFFFFD0]  }
0x46: {  	v6 =	vld [tilespmem:s0+$0xFFFFFFD0]  }
0x47: {  	v7 =	vld [tilespmem:s31+$0xFFFFFFE0]  }
0x48: {  	v8 =	vld [tilespmem:s0+$0xFFFFFFE0];
	v3 =	vshll.u32 v3, $0xA  }
0x49: {  	v3 =	vor.u32 v4, v3;
	v4 =	vld [tilespmem:s31+$0xFFFFFFF0]  }
0x4a: {  	v9 =	vld [tilespmem:s0+$0xFFFFFFF0]  }
0x4b: {  	v11 =	vld [tilespmem:s31+$0x0];
	v5 =	vshll.u32 v5, $0xA  }
0x4c: {  	v12 =	vld [tilespmem:s0+$0x0];
	v6 =	vor.u32 v6, v5;
	v5 =	vshll.u32 v7, $0xA  }
0x4d: {  	v14 =	vld [tilespmem:s31+$0x10];
	v13 =	vor.u32 v8, v5  }
0x4e: {  	v5 =	vld.idx.msk [tilespmem:v3+s2+$0x0], $0xffff;
	v3 =	vshll.u32 v4, $0xA  }
0x4f: {  	v7 =	vld [tilespmem:s31+$0x20];
	v10 =	vor.u32 v9, v3  }
0x50: {  	v8 =	vld [tilespmem:s31+$0x30];
	v3 =	vshll.u32 v11, $0xA  }
0x51: {  	v4 =	vld.idx.msk [tilespmem:v6+s2+$0x0], $0xffff;
	v9 =	vor.u32 v12, v3  }
0x52: {  	s15 =	simm.s32 $0x1B2C0;
	s0 =	simm.s32 $0x0;
	v6 =	vld.idx.msk [tilespmem:v13+s2+$0x0], $0xffff;
	v11 =	vshll.u32 v14, $0xA;
	v3 =	vimm.f32 $0.0e+00  }
.LBB2_9:
0x53: {  	v12 =	vld [tilespmem:s15+$0x30];
	v11 =	vor.u32 v2, v11  }
0x54: {  	v2 =	vadd.f32 v5, v3;
	v3 =	vld.idx.msk [tilespmem:v10+s2+$0x0], $0xffff;
	v5 =	vshll.u32 v7, $0xA  }
0x55: {  	v5 =	vor.u32 v1, v5;
	v1 =	vld [tilespmem:s15+$0x20]  }
0x56: {  	v4 =	vadd.f32 v4, v2;
	v7 =	vld.idx.msk [tilespmem:v9+s2+$0x0], $0xffff;
	v8 =	vshll.u32 v8, $0xA  }
0x57: {  	v2 =	vld [tilespmem:s15+$0x10];
	v8 =	vor.u32 v0, v8  }
0x58: {  	v4 =	vadd.f32 v6, v4;
	v6 =	vld.idx.msk [tilespmem:v11+s2+$0x0], $0xffff;
	v0 =	vmov v12  }
0x59: {  	v9 =	vld [tilespmem:s15+$0xFFFFFFC0]  }
0x5a: {  	s31 =	sadd.s32 $0x80, s31;
	v3 =	vadd.f32 v3, v4;
	v4 =	vld.idx.msk [tilespmem:v5+s2+$0x0], $0xffff  }
0x5b: {  	s0 =	sadd.s32 $0x8, s0;
	v5 =	vld [tilespmem:s31+$0xFFFFFFC0]  }
0x5c: {  	p1 =	slt.u32 s0, $0x38;
	v3 =	vadd.f32 v7, v3;
	v7 =	vld.idx.msk [tilespmem:v8+s2+$0x0], $0xffff  }
0x5d: {  	v8 =	vld [tilespmem:s31+$0xFFFFFFD0]  }
0x5e: {  	v3 =	vadd.f32 v6, v3;
	v10 =	vld [tilespmem:s15+$0xFFFFFFD0]  }
0x5f: {  	v6 =	vld [tilespmem:s31+$0xFFFFFFE0]  }
0x60: {  	v3 =	vadd.f32 v4, v3;
	v5 =	vshll.u32 v5, $0xA;
	v11 =	vld [tilespmem:s15+$0xFFFFFFE0]  }
0x61: {  	v4 =	vor.u32 v9, v5;
	v9 =	vld [tilespmem:s31+$0xFFFFFFF0]  }
0x62: {  	v3 =	vadd.f32 v7, v3;
	v5 =	vshll.u32 v8, $0xA;
	v8 =	vld [tilespmem:s15+$0xFFFFFFF0]  }
0x63: {  	v12 =	vor.u32 v10, v5;
	v13 =	vld [tilespmem:s31+$0x0]  }
0x64: {  	v5 =	vshll.u32 v6, $0xA;
	v6 =	vld [tilespmem:s15+$0x0]  }
0x65: {  	v11 =	vor.u32 v11, v5;
	v14 =	vld [tilespmem:s31+$0x10]  }
.Ltmp5:
0x66: {  	v5 =	vld.idx.msk [tilespmem:v4+s2+$0x0], $0xffff;
	v4 =	vshll.u32 v9, $0xA;
	(pc) =	sbr.rel @p1 .LBB2_9-.Ltmp5, $4  }
0x67: {  	v10 =	vor.u32 v8, v4;
	v7 =	vld [tilespmem:s31+$0x20]  }
0x68: {  	v4 =	vld.idx.msk [tilespmem:v12+s2+$0x0], $0xffff;
	v8 =	vshll.u32 v13, $0xA  }
0x69: {  	v9 =	vor.u32 v6, v8;
	v8 =	vld [tilespmem:s31+$0x30]  }
0x6a: {  	s15 =	sadd.s32 $0x80, s15;
	v6 =	vld.idx.msk [tilespmem:v11+s2+$0x0], $0xffff;
	v11 =	vshll.u32 v14, $0xA  }
0x6b: {  	_ =	sdelay $0x2  }
0x6c: {  	v2 =	vor.u32 v2, v11;
	v3 =	vadd.f32 v5, v3  }
0x6d: {  	v5 =	vld.idx.msk [tilespmem:v10+s2+$0x0], $0xffff;
	v7 =	vshll.u32 v7, $0xA  }
0x6e: {  	v1 =	vor.u32 v1, v7;
	v3 =	vadd.f32 v4, v3  }
0x6f: {  	v4 =	vld.idx.msk [tilespmem:v9+s2+$0x0], $0xffff;
	v7 =	vshll.u32 v8, $0xA  }
0x70: {  	v0 =	vor.u32 v0, v7;
	v3 =	vadd.f32 v6, v3  }
0x71: {  	v2 =	vld.idx.msk [tilespmem:v2+s2+$0x0], $0xffff  }
0x72: {  	v3 =	vadd.f32 v5, v3  }
0x73: {  	v1 =	vld.idx.msk [tilespmem:v1+s2+$0x0], $0xffff  }
0x74: {  	s31 =	sshll.u32 s30, $0x1;
	p1 =	seq.s32 s30, $0xF;
	v3 =	vadd.f32 v4, v3  }
0x75: {  	s0 =	sor.u32 @!p1 s4, s31;
	v0 =	vld.idx.msk [tilespmem:v0+s2+$0x0], $0xffff  }
0x76: {  	s0 =	sadd.s32 @!p1 $0x2, s0;
	v2 =	vadd.f32 v2, v3  }
0x77: {  	s15 =	sshrl.u32 @!p1 s0, $0x3  }
0x78: {  	s0 =	sshll.u32 @!p1 s0, $0x7;
	s16 =	smul.u32 @!p1 $0x2400, s15;
	v1 =	vadd.f32 v1, v2  }
0x79: {  	s0 =	sand.u32 @!p1 $0x300, s0  }
0x7a: {  	s28 =	sshll.u32 s30, $0x8;
	s16 =	sor.u32 @!p1 s0, s16;
	v0 =	vadd.f32 v0, v1  }
0x7b: {  	s28 =	sand.u32 $0x3FFFFF00, s28;
	s1 =	simm.s32 @!p1 $0x400;
	s16 =	sshrl.u32 @!p1 s16, $0x3  }
0x7c: {  	s9 =	simm.s32 @!p1 $0x1A900;
	s16 =	sadd.s32 @!p1 s5, s16;
	[tilespmem:s28+$0x1BA00] =	vst v0;
	s28 =	simm.s32 @!p1 $0x80  }
0x7d: {  	[tilespmem:s9], [sflag:$0x2] =	stream.strided.gather @!p1 [hbm4b:s16+s28], $0x480, s1, s28, $0x38;
	[tilespmem:$0x1CA00] =	vst v63  }
0x7e: {  	s9 =	sshll.u32 @!p1 s15, $0xD  }
0x7f: {  	s0 =	sor.u32 @!p1 s0, s9  }
0x80: {  	s0 =	sshrl.u32 @!p1 s0, $0x3  }
0x81: {  	s9 =	simm.s32 @!p1 $0x1B200;
	s0 =	sadd.s32 @!p1 s6, s0  }
0x82: {  	[tilespmem:s9], [sflag:$0x4] =	stream.strided.gather @!p1 [hbm4b:s0+s28], $0x400, s1, s28, $0x38;
	[tilespmem:$0x1CA00] =	vst v63  }
0x83: {  	_ =	swait.ge [sflag:s25], $0x480  }
0x84: {  	[sflag:s25] =	ssyncset.done $0x0  }
0x85: {  	[sflag:s25] =	ssyncadd.s32 $0xFFFFFB80  }
0x86: {  	_ =	swait.ge [sflag:s26], $0x400  }
0x87: {  	[sflag:s26] =	ssyncset.done $0x0  }
0x88: {  	s28 =	simm.s32 $0x1B640;
	[sflag:s26] =	ssyncadd.s32 $0xFFFFFC00  }
0x89: {  	v0 =	vld [tilespmem:s28+$0x30]  }
0x8a: {  	v1 =	vld [tilespmem:s28+$0x20]  }
0x8b: {  	s0 =	simm.s32 $0x1ADC0;
	v2 =	vld [tilespmem:s28+$0x10]  }
0x8c: {  	v3 =	vld [tilespmem:s0+$0xFFFFFFC0]  }
0x8d: {  	v4 =	vld [tilespmem:s28+$0xFFFFFFC0]  }
0x8e: {  	v5 =	vld [tilespmem:s0+$0xFFFFFFD0]  }
0x8f: {  	v6 =	vld [tilespmem:s28+$0xFFFFFFD0]  }
0x90: {  	v7 =	vld [tilespmem:s0+$0xFFFFFFE0]  }
0x91: {  	v8 =	vld [tilespmem:s28+$0xFFFFFFE0];
	v3 =	vshll.u32 v3, $0xA  }
0x92: {  	v3 =	vor.u32 v4, v3;
	v4 =	vld [tilespmem:s0+$0xFFFFFFF0]  }
0x93: {  	v9 =	vld [tilespmem:s28+$0xFFFFFFF0]  }
0x94: {  	v11 =	vld [tilespmem:s0+$0x0];
	v5 =	vshll.u32 v5, $0xA  }
0x95: {  	v12 =	vld [tilespmem:s28+$0x0];
	v6 =	vor.u32 v6, v5;
	v5 =	vshll.u32 v7, $0xA  }
0x96: {  	v14 =	vld [tilespmem:s0+$0x10];
	v13 =	vor.u32 v8, v5  }
0x97: {  	v5 =	vld.idx.msk [tilespmem:v3+s2+$0x0], $0xffff;
	v3 =	vshll.u32 v4, $0xA  }
0x98: {  	v7 =	vld [tilespmem:s0+$0x20];
	v10 =	vor.u32 v9, v3  }
0x99: {  	v8 =	vld [tilespmem:s0+$0x30];
	v3 =	vshll.u32 v11, $0xA  }
0x9a: {  	v4 =	vld.idx.msk [tilespmem:v6+s2+$0x0], $0xffff;
	v9 =	vor.u32 v12, v3  }
0x9b: {  	s15 =	simm.s32 $0x0;
	s16 =	simm.s32 $0x1B6C0;
	v6 =	vld.idx.msk [tilespmem:v13+s2+$0x0], $0xffff;
	v11 =	vshll.u32 v14, $0xA;
	v3 =	vimm.f32 $0.0e+00  }
.LBB2_11:
0x9c: {  	v12 =	vld [tilespmem:s16+$0x30];
	v11 =	vor.u32 v2, v11  }
0x9d: {  	v2 =	vadd.f32 v5, v3;
	v3 =	vld.idx.msk [tilespmem:v10+s2+$0x0], $0xffff;
	v5 =	vshll.u32 v7, $0xA  }
0x9e: {  	v5 =	vor.u32 v1, v5;
	v1 =	vld [tilespmem:s16+$0x20]  }
0x9f: {  	v4 =	vadd.f32 v4, v2;
	v7 =	vld.idx.msk [tilespmem:v9+s2+$0x0], $0xffff;
	v8 =	vshll.u32 v8, $0xA  }
0xa0: {  	v2 =	vld [tilespmem:s16+$0x10];
	v8 =	vor.u32 v0, v8  }
0xa1: {  	v4 =	vadd.f32 v6, v4;
	v6 =	vld.idx.msk [tilespmem:v11+s2+$0x0], $0xffff;
	v0 =	vmov v12  }
0xa2: {  	v9 =	vld [tilespmem:s16+$0xFFFFFFC0]  }
0xa3: {  	s0 =	sadd.s32 $0x80, s0;
	v3 =	vadd.f32 v3, v4;
	v4 =	vld.idx.msk [tilespmem:v5+s2+$0x0], $0xffff  }
0xa4: {  	s15 =	sadd.s32 $0x8, s15;
	v5 =	vld [tilespmem:s0+$0xFFFFFFC0]  }
0xa5: {  	p2 =	slt.u32 s15, $0x38;
	v3 =	vadd.f32 v7, v3;
	v7 =	vld.idx.msk [tilespmem:v8+s2+$0x0], $0xffff  }
0xa6: {  	v8 =	vld [tilespmem:s0+$0xFFFFFFD0]  }
0xa7: {  	v3 =	vadd.f32 v6, v3;
	v10 =	vld [tilespmem:s16+$0xFFFFFFD0]  }
0xa8: {  	v6 =	vld [tilespmem:s0+$0xFFFFFFE0]  }
0xa9: {  	v3 =	vadd.f32 v4, v3;
	v5 =	vshll.u32 v5, $0xA;
	v11 =	vld [tilespmem:s16+$0xFFFFFFE0]  }
0xaa: {  	v4 =	vor.u32 v9, v5;
	v9 =	vld [tilespmem:s0+$0xFFFFFFF0]  }
0xab: {  	v3 =	vadd.f32 v7, v3;
	v5 =	vshll.u32 v8, $0xA;
	v8 =	vld [tilespmem:s16+$0xFFFFFFF0]  }
0xac: {  	v12 =	vor.u32 v10, v5;
	v13 =	vld [tilespmem:s0+$0x0]  }
0xad: {  	v5 =	vshll.u32 v6, $0xA;
	v6 =	vld [tilespmem:s16+$0x0]  }
0xae: {  	v11 =	vor.u32 v11, v5;
	v14 =	vld [tilespmem:s0+$0x10]  }
.Ltmp6:
0xaf: {  	v5 =	vld.idx.msk [tilespmem:v4+s2+$0x0], $0xffff;
	v4 =	vshll.u32 v9, $0xA;
	(pc) =	sbr.rel @p2 .LBB2_11-.Ltmp6, $4  }
0xb0: {  	v10 =	vor.u32 v8, v4;
	v7 =	vld [tilespmem:s0+$0x20]  }
0xb1: {  	v4 =	vld.idx.msk [tilespmem:v12+s2+$0x0], $0xffff;
	v8 =	vshll.u32 v13, $0xA  }
0xb2: {  	v9 =	vor.u32 v6, v8;
	v8 =	vld [tilespmem:s0+$0x30]  }
0xb3: {  	s16 =	sadd.s32 $0x80, s16;
	v6 =	vld.idx.msk [tilespmem:v11+s2+$0x0], $0xffff;
	v11 =	vshll.u32 v14, $0xA  }
0xb4: {  	_ =	sdelay $0x2  }
0xb5: {  	v2 =	vor.u32 v2, v11;
	v3 =	vadd.f32 v5, v3  }
0xb6: {  	v61 =	vld.idx.msk [tilespmem:v10+s2+$0x0], $0xffff;
	v7 =	vshll.u32 v7, $0xA  }
0xb7: {  	v1 =	vor.u32 v1, v7;
	v3 =	vadd.f32 v4, v3  }
0xb8: {  	v62 =	vld.idx.msk [tilespmem:v9+s2+$0x0], $0xffff;
	v63 =	vshll.u32 v8, $0xA  }
0xb9: {  	v0 =	vor.u32 v0, v63;
	v3 =	vadd.f32 v6, v3  }
0xba: {  	v2 =	vld.idx.msk [tilespmem:v2+s2+$0x0], $0xffff  }
0xbb: {  	v3 =	vadd.f32 v61, v3  }
0xbc: {  	v1 =	vld.idx.msk [tilespmem:v1+s2+$0x0], $0xffff  }
0xbd: {  	v3 =	vadd.f32 v62, v3  }
0xbe: {  	v0 =	vld.idx.msk [tilespmem:v0+s2+$0x0], $0xffff  }
0xbf: {  	v2 =	vadd.f32 v2, v3;
	_ =	sdelay $0x1  }
.Ltmp7:
0xc0: {  	v1 =	vadd.f32 v1, v2;
	(pc) =	sbr.rel @p1 .LBB2_14-.Ltmp7, $4  }
0xc1: {  	s0 =	sor.u32 $0x1, s31  }
0xc2: {  	s1 =	sshll.u32 s0, $0x7;
	v0 =	vadd.f32 v0, v1  }
0xc3: {  	s1 =	sand.u32 $0x3FFFFF80, s1  }
0xc4: {  	[tilespmem:s1+$0x1BA00] =	vst v0  }
0xc5: {  	s0 =	sor.u32 s4, s0  }
0xc6: {  	s0 =	sadd.s32 $0x2, s0  }
0xc7: {  	s1 =	sshrl.u32 s0, $0x3  }
0xc8: {  	s0 =	sshll.u32 s0, $0x7;
	s9 =	smul.u32 $0x2400, s1  }
0xc9: {  	s0 =	sand.u32 $0x380, s0  }
0xca: {  	s1 =	sshll.u32 s1, $0xD;
	s9 =	sor.u32 s0, s9  }
.Ltmp8:
0xcb: {  	s0 =	sor.u32 s0, s1;
	s9 =	sshrl.u32 s9, $0x3;
	(pc) =	sbr.rel .LBB2_8-.Ltmp8, $4  }
0xcc: {  	s0 =	sshrl.u32 s0, $0x3;
	s9 =	sadd.s32 s5, s9  }
0xcd: {  	[tilespmem:s17], [sflag:$0x3] =	stream.strided.gather [hbm4b:s9+s13], $0x480, s14, s13, $0x38;
	[tilespmem:$0x1CA00] =	vst v63  }
0xce: {  	s30 =	sadd.s32 $0x1, s30;
	s0 =	sadd.s32 s6, s0  }
0xcf: {  	[tilespmem:s18], [sflag:$0x5] =	stream.strided.gather [hbm4b:s0+s13], $0x400, s14, s13, $0x38;
	[tilespmem:$0x1CA00] =	vst v63  }
.LBB2_15:
0xd0: {  	_ =	sfence.sel $0x180000  }
0xd1: {  	[bflag:$0x0] =	sbarrier.arrive $0xFFFF  }
0xd2: {  	_ =	strace $0x90000047  }
0xd3: {  	[bflag:$0x2] =	sbarrier.arrive $0xFFFF  }
0xd4: {  	s0 =	rddreg [dreg:$0x2]  }
0xd5: {  	s0 =	sadd.s32 @!p0 $0x100000, s0  }
0xd6: {  	[sflag:s0] =	ssyncadd.tile.s32 @!p0 $0x1;
	_ =	shalt  }
.Lfunc_end2:
_tile_overlayer_lowered:
.L_overlay_start_2:
0xd7: {  	(tag) =	ssettag $0x2  }
0xd8: {  	s0 =	rddreg [dreg:$0x0];
	s2 =	stileid.u32  }
0xd9: {  	s1 =	rddreg [dreg:$0x1];
	p0 =	sne.s32 s2, $0x0  }
0xda: {  	s3 =	rddreg [dreg:$0x2];
	[bflag:$0x3] =	sbarrier.arrive $0xFFFF;
	s2 =	simm.s32 @!p0 $0x1C06  }
0xdb: {  	[timem:s3], [sflag:s2] =	dma.local @!p0 [hbm:s0], s1  }
0xdc: {  	s0 =	simm.s32 @!p0 $0x6  }
0xdd: {  	_ =	swait.ge @!p0 [sflag:s0], s1  }
0xde: {  	s1 =	ssub.s32 @!p0 $0x0, s1;
	[sflag:s0] =	ssyncset.done @!p0 $0x0  }
0xdf: {  	[sflag:s0] =	ssyncadd.s32 @!p0 s1  }
0xe0: {  	[bflag:$0x3] =	sbarrier.arrive $0xFFFF  }
0xe1: {  	_ =	shalt  }

</sc_bundles>
